<compile_context>
chip_gen: v7x
topology: tpu7x:2x2x1
jax: 0.10.2.dev20260603
libtpu: 0.0.44.dev20260713+nightly
codegen_flags: <defaults>
</compile_context>

<pallas_src>
import functools

import jax
import jax.numpy as jnp
from jax import lax
from jax.experimental import pallas as pl
from jax.experimental.pallas import tpu as pltpu
from jax.experimental.pallas import tpu_sc as plsc

V = 30000
NI = 256
HID = 256
NTOPIC = 50
NLAB = 128
ENC = 256
B = 16
NTOK = 4096
NLBL = 256

L_CAP = 512
VTILE = 6016
VPAD = 30080
NZSTEP = 5
TPAD = 64


def _make_sc_gather():
    info = plsc.get_sparse_core_info()
    NC, NS = info.num_cores, info.num_subcores
    NW = NC * NS
    bpw = NTOK // NW

    mesh = plsc.VectorSubcoreMesh(core_axis_name="c", subcore_axis_name="s")

    @functools.partial(
        pl.kernel,
        mesh=mesh,
        out_type=(
            jax.ShapeDtypeStruct((NTOK, NI), jnp.float32),
            jax.ShapeDtypeStruct((NTOK, NI), jnp.float32),
            jax.ShapeDtypeStruct((NTOK, 2 * ENC), jnp.float32),
        ),
        scratch_types=[
            pltpu.VMEM((bpw,), jnp.int32),
            pltpu.VMEM((bpw, NI), jnp.float32),
            pltpu.VMEM((bpw, 2 * ENC), jnp.float32),
            pltpu.SemaphoreType.DMA,
        ],
    )
    def gather3(emb_hbm, wv_hbm, genc_hbm, idx_hbm,
                emb_out, wv_out, genc_out,
                idx_v, buf_n, buf_e, sem):
        wid = lax.axis_index("s") * NC + lax.axis_index("c")
        base = wid * bpw
        pltpu.sync_copy(idx_hbm.at[pl.ds(base, bpw)], idx_v)
        pltpu.async_copy(emb_hbm.at[idx_v], buf_n, sem).wait()
        pltpu.sync_copy(buf_n, emb_out.at[pl.ds(base, bpw)])
        pltpu.async_copy(wv_hbm.at[idx_v], buf_n, sem).wait()
        pltpu.sync_copy(buf_n, wv_out.at[pl.ds(base, bpw)])
        pltpu.async_copy(genc_hbm.at[idx_v], buf_e, sem).wait()
        pltpu.sync_copy(buf_e, genc_out.at[pl.ds(base, bpw)])

    return gather3


_SC_GATHER_CACHE = []


def _sc_gather3(emb_table, word_vec, gencT, idx):
    if not _SC_GATHER_CACHE:
        _SC_GATHER_CACHE.append(_make_sc_gather())
    return _SC_GATHER_CACHE[0](emb_table, word_vec, gencT, idx)


def _z_body(topic_ref, wv_ref, m_ref, z_ref):
    i = pl.program_id(0)

    @pl.when(i == 0)
    def _():
        m_ref[...] = jnp.full((TPAD,), -1e30, jnp.float32)
        z_ref[...] = jnp.zeros((TPAD,), jnp.float32)

    s = lax.dot_general(topic_ref[...], wv_ref[...],
                        (((1,), (1,)), ((), ())),
                        preferred_element_type=jnp.float32)
    col = lax.broadcasted_iota(jnp.int32, (TPAD, VTILE), 1) + i * VTILE
    s = jnp.where(col < V, s, -1e30)
    m_old = m_ref[...]
    m_new = jnp.maximum(m_old, jnp.max(s, axis=1))
    z_ref[...] = (z_ref[...] * jnp.exp(m_old - m_new)
                  + jnp.sum(jnp.exp(s - m_new[:, None]), axis=1))
    m_ref[...] = m_new


def _z_normalizers(topic_pad, wv_pad):
    return pl.pallas_call(
        _z_body,
        grid=(NZSTEP,),
        in_specs=[
            pl.BlockSpec((TPAD, NI), lambda i: (0, 0)),
            pl.BlockSpec((VTILE, NI), lambda i: (i, 0)),
        ],
        out_specs=[
            pl.BlockSpec((TPAD,), lambda i: (0,)),
            pl.BlockSpec((TPAD,), lambda i: (0,)),
        ],
        out_shape=[
            jax.ShapeDtypeStruct((TPAD,), jnp.float32),
            jax.ShapeDtypeStruct((TPAD,), jnp.float32),
        ],
    )(topic_pad, wv_pad)


def _mega_body(tb_ref, tw_ref, emb_ref, wv_ref, genc_ref, emb0_ref,
               m_ref, z_ref, tvT_ref,
               Wenc2T_ref, benc1_ref, benc2_ref,
               WmeanT_ref, bmean_ref, WlogvT_ref, blogv_ref,
               WdecT_ref, bdec_ref,
               WattT_ref, batt_ref,
               WifT_ref, WhfT_ref, bif_ref, bhf_ref,
               WibT_ref, WhbT_ref, bib_ref, bhb_ref,
               WfcT_ref, bfc_ref,
               is_ref, isb_ref,
               logit_ref, loss_ref, hb_seq):
    f32 = jnp.float32
    tb = tb_ref[...]
    tw = tw_ref[...]
    emb = emb_ref[...]
    e0 = emb0_ref[...]

    row_b = lax.broadcasted_iota(jnp.int32, (B, NTOK), 0)
    Pb = (tb[None, :] == row_b)
    Pbf = Pb.astype(f32)
    Pw = jnp.where(Pb, tw[None, :], 0.0)
    cnts = jnp.sum(Pb.astype(jnp.int32), axis=1)
    max_len = jnp.minimum(jnp.max(cnts), L_CAP)

    enc1 = jnp.tanh(Pw @ genc_ref[...] + benc1_ref[...][None, :])
    enc2 = jnp.tanh(enc1 @ Wenc2T_ref[...] + benc2_ref[...][None, :])
    mean = enc2 @ WmeanT_ref[...] + bmean_ref[...][None, :]
    logv = enc2 @ WlogvT_ref[...] + blogv_ref[...][None, :]
    dec = mean @ WdecT_ref[...] + bdec_ref[...][None, :]
    dec = dec - jnp.max(dec, axis=1, keepdims=True)
    ed = jnp.exp(dec)
    theta = ed / jnp.sum(ed, axis=1, keepdims=True)
    KLD = -0.5 * jnp.sum(1.0 - mean * mean + logv - jnp.exp(logv), axis=1)

    tvT = tvT_ref[...]
    s_tok = wv_ref[...] @ tvT
    m50 = m_ref[...][:NTOPIC]
    z50 = z_ref[...][:NTOPIC]
    beta_tok = jnp.exp(s_tok - m50[None, :]) / z50[None, :]
    PbT = (tb[:, None] == lax.broadcasted_iota(jnp.int32, (NTOK, B), 1))
    theta_tok = PbT.astype(f32) @ theta
    recon_tok = jnp.sum(theta_tok * beta_tok, axis=1)
    logr = jnp.log(recon_tok + 1e-10)
    NL = -(Pw @ logr[:, None])[:, 0]
    topic_loss = jnp.mean(NL + KLD)

    lt_r = lax.broadcasted_iota(jnp.int32, (B, B), 0)
    lt_c = lax.broadcasted_iota(jnp.int32, (B, B), 1)
    lt = (lt_c < lt_r).astype(f32)
    offs = (lt @ cnts.astype(f32)[:, None])[:, 0].astype(jnp.int32)
    col_t = lax.broadcasted_iota(jnp.int32, (B, NTOK), 1)

    def x_at(t):
        sel = (col_t == (offs[:, None] + t)) & (t < cnts[:, None])
        pad = (t >= cnts).astype(f32)
        return sel.astype(f32) @ emb + pad[:, None] * e0

    def cell(x, h, c, WiT, WhT, bi, bh):
        g = x @ WiT + bi[None, :] + h @ WhT + bh[None, :]
        ii = jax.nn.sigmoid(g[:, :HID])
        ff = jax.nn.sigmoid(g[:, HID:2 * HID])
        gg = jnp.tanh(g[:, 2 * HID:3 * HID])
        oo = jax.nn.sigmoid(g[:, 3 * HID:])
        c2 = ff * c + ii * gg
        return oo * jnp.tanh(c2), c2

    WibT = WibT_ref[...]; WhbT = WhbT_ref[...]
    bib = bib_ref[...]; bhb = bhb_ref[...]

    def bwd_body(s, carry):
        h, c = carry
        pos = max_len - 1 - s
        h, c = cell(x_at(pos), h, c, WibT, WhbT, bib, bhb)
        hb_seq[pl.ds(pos, 1)] = h[None]
        return h, c

    z2 = jnp.zeros((B, HID), f32)
    lax.fori_loop(0, max_len, bwd_body, (z2, z2))

    WifT = WifT_ref[...]; WhfT = WhfT_ref[...]
    bif = bif_ref[...]; bhf = bhf_ref[...]
    WattT = WattT_ref[...]; batt = batt_ref[...]

    def fwd_body(s, carry):
        h, c, M, D, A = carry
        h, c = cell(x_at(s), h, c, WifT, WhfT, bif, bhf)
        hb = hb_seq[pl.ds(s, 1)][0]
        vals = jnp.concatenate([h, hb], axis=1)
        h1 = jnp.tanh(vals @ WattT + batt[None, :])
        sc = h1 @ tvT
        Mn = jnp.maximum(M, sc)
        r = jnp.exp(M - Mn)
        e = jnp.exp(sc - Mn)
        D = D * r + e
        A = A * r[:, :, None] + e[:, :, None] * vals[:, None, :]
        return h, c, Mn, D, A

    M0 = jnp.full((B, NTOPIC), -1e30, f32)
    D0 = jnp.zeros((B, NTOPIC), f32)
    A0 = jnp.zeros((B, NTOPIC, 2 * HID), f32)
    _, _, M, D, A = lax.fori_loop(0, max_len, fwd_body, (z2, z2, M0, D0, A0))

    coef = theta / D
    atten_out = jnp.sum(coef[:, :, None] * A, axis=1)
    out = atten_out @ WfcT_ref[...] + bfc_ref[...][None, :]
    logit = jax.nn.sigmoid(out)

    isv = is_ref[...]
    isbv = isb_ref[...]
    Ab = (lax.broadcasted_iota(jnp.int32, (B, NLBL), 0)
          == isbv[None, :]).astype(f32)
    Bj = (isv[:, None]
          == lax.broadcasted_iota(jnp.int32, (NLBL, NLAB), 1)).astype(f32)
    target = jnp.minimum(Ab @ Bj, 1.0)

    p = jnp.clip(logit, 1e-7, 1.0 - 1e-7)
    bce = -jnp.mean(target * jnp.log(p) + (1.0 - target) * jnp.log(1.0 - p))

    logit_ref[...] = logit
    loss_ref[...] = jnp.reshape(bce + topic_loss, (1, 1))


def _mega(tb, tw, emb_tok, wv_tok, genc_tok, emb0, m64, z64, tvT,
          Wenc2T, benc1, benc2, WmeanT, bmean, WlogvT, blogv, WdecT, bdec,
          WattT, batt, WifT, WhfT, bif, bhf, WibT, WhbT, bib, bhb,
          WfcT, bfc, isv, isbv):
    return pl.pallas_call(
        _mega_body,
        out_shape=[
            jax.ShapeDtypeStruct((B, NLAB), jnp.float32),
            jax.ShapeDtypeStruct((1, 1), jnp.float32),
        ],
        scratch_shapes=[pltpu.VMEM((L_CAP, B, HID), jnp.float32)],
        compiler_params=pltpu.CompilerParams(
            vmem_limit_bytes=100 * 1024 * 1024),
    )(tb, tw, emb_tok, wv_tok, genc_tok, emb0, m64, z64, tvT,
      Wenc2T, benc1, benc2, WmeanT, bmean, WlogvT, blogv, WdecT, bdec,
      WattT, batt, WifT, WhfT, bif, bhf, WibT, WhbT, bib, bhb,
      WfcT, bfc, isv, isbv)


def kernel(text, text_batch, text_w, idx_sent, idx_sent_batch, epoch,
           emb_table, word_vec, topic_vec, W_enc1, b_enc1, W_enc2, b_enc2,
           W_mean, b_mean, W_logvar, b_logvar, W_dec, b_dec, W_att, b_att,
           W_ih_f, W_hh_f, b_ih_f, b_hh_f, W_ih_b, W_hh_b, b_ih_b, b_hh_b,
           W_fc, b_fc):
    f32 = jnp.float32
    text = text.astype(jnp.int32)
    tb = text_batch.astype(jnp.int32)
    tw = text_w.astype(f32)
    isv = idx_sent.astype(jnp.int32)
    isbv = idx_sent_batch.astype(jnp.int32)

    emb_table = emb_table.astype(f32)
    word_vec = word_vec.astype(f32)
    topic_vec = topic_vec.astype(f32)
    gencT = W_enc1.astype(f32).T

    emb_tok, wv_tok, genc_tok = _sc_gather3(emb_table, word_vec, gencT, text)

    wv_pad = jnp.concatenate(
        [word_vec, jnp.zeros((VPAD - V, NI), f32)], axis=0)
    topic_pad = jnp.concatenate(
        [topic_vec, jnp.zeros((TPAD - NTOPIC, NI), f32)], axis=0)
    m64, z64 = _z_normalizers(topic_pad, wv_pad)

    logit, loss = _mega(
        tb, tw, emb_tok, wv_tok, genc_tok, emb_table[0:1], m64, z64,
        topic_vec.T,
        W_enc2.astype(f32).T, b_enc1.astype(f32), b_enc2.astype(f32),
        W_mean.astype(f32).T, b_mean.astype(f32),
        W_logvar.astype(f32).T, b_logvar.astype(f32),
        W_dec.astype(f32).T, b_dec.astype(f32),
        W_att.astype(f32).T, b_att.astype(f32),
        W_ih_f.astype(f32).T, W_hh_f.astype(f32).T,
        b_ih_f.astype(f32), b_hh_f.astype(f32),
        W_ih_b.astype(f32).T, W_hh_b.astype(f32).T,
        b_ih_b.astype(f32), b_hh_b.astype(f32),
        W_fc.astype(f32).T, b_fc.astype(f32), isv, isbv)
    return logit, loss[0, 0]

# --- scband reference (transcript-rebuilt; emitter-appended) ---
"""Pipeline reference for scband-topic-att-85985245266367 (READ-ONLY COPY).

The authoritative reference and input builder live on the scoring server;
editing this copy changes nothing except your own understanding.
"""

import jax, jax.numpy as jnp
import numpy as np

V = 30000; NI = 256; HID = 256; NTOPIC = 50; NLAB = 128; ENC = 256; B = 16; NTOK = 4096; NLBL = 256

def pad_by_batch(idx, idx_batch, bsz):
    counts = jnp.bincount(idx_batch, length=bsz)
    max_len = counts.max()
    offsets = jnp.cumsum(counts) - counts
    pos = jnp.arange(idx.shape[0]) - offsets[idx_batch]
    padded = jnp.zeros((bsz, idx.shape[0]), dtype=idx.dtype).at[idx_batch, pos].set(idx)
    return padded, max_len

def lstm_dir(x, W_ih, W_hh, b_ih, b_hh, reverse, valid):
    Bx = x.shape[0]
    Hh = W_hh.shape[1]
    xs = jnp.swapaxes(x, 0, 1)
    vs = valid
    if reverse:
        xs = xs[::-1]
        vs = vs[::-1]
    def step(carry, inp):
        xt, vt = inp
        h, c = carry
        g = xt @ W_ih.T + b_ih + h @ W_hh.T + b_hh
        i, f, gg, o = jnp.split(g, 4, axis=-1)
        i = jax.nn.sigmoid(i); f = jax.nn.sigmoid(f); gg = jnp.tanh(gg); o = jax.nn.sigmoid(o)
        c2 = f * c + i * gg
        h2 = o * jnp.tanh(c2)
        h2 = jnp.where(vt, h2, h)
        c2 = jnp.where(vt, c2, c)
        return (h2, c2), h2
    _, ys = jax.lax.scan(step, (jnp.zeros((Bx, Hh)), jnp.zeros((Bx, Hh))), (xs, vs))
    if reverse:
        ys = ys[::-1]
    return jnp.swapaxes(ys, 0, 1)

def setup_inputs(seed: int = 0):
    key = jax.random.key(seed)
    ks = jax.random.split(key, 32)
    d = {}
    d['text'] = jax.random.randint(ks[0], (NTOK,), 0, V)
    d['text_batch'] = jnp.sort(jax.random.randint(ks[1], (NTOK,), 0, B))
    d['text_w'] = jax.random.uniform(ks[2], (NTOK,))
    d['idx_sent'] = jax.random.randint(ks[3], (NLBL,), 0, NLAB)
    d['idx_sent_batch'] = jnp.sort(jax.random.randint(ks[4], (NLBL,), 0, B))
    d['epoch'] = 0
    d['emb_table'] = jax.random.normal(ks[5], (V, NI)) * 0.01
    d['word_vec'] = jax.random.normal(ks[6], (V, NI)) * 0.01
    d['topic_vec'] = jax.random.normal(ks[7], (NTOPIC, NI))
    d['W_enc1'] = jax.random.normal(ks[8], (2 * ENC, V)) * 0.02
    d['b_enc1'] = jnp.zeros((2 * ENC,))
    d['W_enc2'] = jax.random.normal(ks[9], (ENC, 2 * ENC)) * 0.05
    d['b_enc2'] = jnp.zeros((ENC,))
    d['W_mean'] = jax.random.normal(ks[10], (NTOPIC, ENC)) * 0.05
    d['b_mean'] = jnp.zeros((NTOPIC,))
    d['W_logvar'] = jnp.zeros((NTOPIC, ENC))
    d['b_logvar'] = jnp.zeros((NTOPIC,))
    d['W_dec'] = jax.random.uniform(ks[11], (NTOPIC, NTOPIC))
    d['b_dec'] = jnp.zeros((NTOPIC,))
    d['W_att'] = jax.random.normal(ks[12], (NI, 2 * HID)) * 0.05
    d['b_att'] = jnp.zeros((NI,))
    for tag, k1, k2 in (('f', 13, 14), ('b', 15, 16)):
        d['W_ih_' + tag] = jax.random.normal(ks[k1], (4 * HID, NI)) * 0.05
        d['W_hh_' + tag] = jax.random.normal(ks[k2], (4 * HID, HID)) * 0.05
        d['b_ih_' + tag] = jnp.zeros((4 * HID,))
        d['b_hh_' + tag] = jnp.zeros((4 * HID,))
    d['W_fc'] = jax.random.normal(ks[17], (NLAB, 2 * HID)) * 0.05
    d['b_fc'] = jnp.zeros((NLAB,))
    return d

def reference(text, text_batch, text_w, idx_sent, idx_sent_batch, epoch, emb_table, word_vec, topic_vec, W_enc1, b_enc1, W_enc2, b_enc2, W_mean, b_mean, W_logvar, b_logvar, W_dec, b_dec, W_att, b_att, W_ih_f, W_hh_f, b_ih_f, b_hh_f, W_ih_b, W_hh_b, b_ih_b, b_hh_b, W_fc, b_fc):
    # ragged -> padded [B, max_len] (get_batch_idx)
    x, max_len = pad_by_batch(text, text_batch, B)
    valid = jnp.arange(x.shape[1]) < max_len
    # to_BOW: weighted one-hot scatter-add into [B, V]
    bow = jnp.zeros((B, V)).at[text_batch, text].add(text_w)
    # multi-label binarization (mlb.transform)
    target = jnp.zeros((B, NLAB)).at[idx_sent_batch, idx_sent].set(1.0)
    # --- GSM topic model (eval mode: z = posterior mean, dropout off) ---
    enc1 = jnp.tanh(bow @ W_enc1.T + b_enc1)
    enc2 = jnp.tanh(enc1 @ W_enc2.T + b_enc2)
    mean = enc2 @ W_mean.T + b_mean
    logvar = enc2 @ W_logvar.T + b_logvar
    theta = jax.nn.softmax(mean @ W_dec.T + b_dec, axis=-1)
    beta = jax.nn.softmax(topic_vec @ word_vec.T, axis=-1)
    recon = theta @ beta
    NL = -(bow * jnp.log(recon + 1e-10)).sum(1)
    KLD = -0.5 * jnp.sum(1 - mean ** 2 + logvar - jnp.exp(logvar), axis=1)
    topic_loss = (NL + KLD).mean()
    w = theta
    # --- BiLSTM encoder over padded tokens ---
    emb = emb_table[x]
    hf = lstm_dir(emb, W_ih_f, W_hh_f, b_ih_f, b_hh_f, False, valid)
    hb = lstm_dir(emb, W_ih_b, W_hh_b, b_ih_b, b_hh_b, True, valid)
    values = jnp.concatenate([hf, hb], axis=-1)
    # --- topic attention (vectorized form of per-topic loop) ---
    h1 = jnp.tanh(values @ W_att.T + b_att)
    scores = jnp.einsum('bln,kn->blk', h1, topic_vec)
    scores = jnp.where(valid[None, :, None], scores, -jnp.inf)
    attn = jax.nn.softmax(scores, axis=1)
    topic_atten = jnp.einsum('blk,bk->bl', attn, w)[..., None]
    atten_out = jnp.sum(topic_atten * values, axis=1)
    out = atten_out @ W_fc.T + b_fc
    logit = jax.nn.sigmoid(out)
    p = jnp.clip(logit, 1e-7, 1 - 1e-7)
    bce = -jnp.mean(target * jnp.log(p) + (1 - target) * jnp.log(1 - p))
    loss = bce + topic_loss
    return (logit, loss)

if __name__ == "__main__":
    import jax
    _d = setup_inputs()
    print(jax.jit(kernel)(*tuple(_d.values())))

</pallas_src>

<mosaic_0001>
#map = affine_map<(d0, d1) -> (0, 0)>
#map1 = affine_map<(d0, d1) -> (0)>
module attributes {stable_mosaic.version = 14 : i64} {
  func.func @gather3(%arg0: i32, %arg1: i32, %arg2: memref<30000x256xf32, #tpu.memory_space<hbm>>, %arg3: memref<30000x256xf32, #tpu.memory_space<hbm>>, %arg4: memref<30000x512xf32, #tpu.memory_space<hbm>>, %arg5: memref<4096xi32, #tpu.memory_space<hbm>>, %arg6: memref<4096x256xf32, #tpu.memory_space<hbm>>, %arg7: memref<4096x256xf32, #tpu.memory_space<hbm>>, %arg8: memref<4096x512xf32, #tpu.memory_space<hbm>>, %arg9: memref<128xi32, #tpu.memory_space<vmem>>, %arg10: memref<128x256xf32, #tpu.memory_space<vmem>>, %arg11: memref<128x512xf32, #tpu.memory_space<vmem>>, %arg12: memref<!tpu.dma_semaphore, #tpu.memory_space<semaphore_mem>>) attributes {dimension_semantics = [#tpu.dimension_semantics<core_parallel>, #tpu.dimension_semantics<subcore_parallel>], iteration_bounds = array<i64: 2, 16>, scalar_prefetch = 0 : i64, scratch_operands = 4 : i64, tpu.core_type = #tpu.core_type<sc_vector_subcore>, window_params = [{transform_indices = #map}, {transform_indices = #map}, {transform_indices = #map}, {transform_indices = #map1}, {transform_indices = #map}, {transform_indices = #map}, {transform_indices = #map}]} {
    %mul3A = arith.constant 2 : i32
    %mul3A_0 = arith.muli %arg1, %mul3A : i32
    %add3A = arith.addi %mul3A_0, %arg0 : i32
    %mul3A_1 = arith.constant 128 : i32
    %mul3A_2 = arith.muli %add3A, %mul3A_1 : i32
    "tpu.region"() ({
      %run_scoped3A = tpu.sem_alloc : memref<!tpu.dma_semaphore, #tpu.memory_space<semaphore_mem>>
      %dma_start3A_19 = tpu.memref_slice %arg5[%mul3A_2] : memref<4096xi32, #tpu.memory_space<hbm>> -> memref<128xi32, #tpu.memory_space<hbm>>
      %dma_start3A_20 = tpu.memref_slice %arg5[%mul3A_2] : memref<4096xi32, #tpu.memory_space<hbm>> -> memref<128xi32, #tpu.memory_space<hbm>>
      tpu.enqueue_dma source(%dma_start3A_20 : memref<128xi32, #tpu.memory_space<hbm>>) target(%arg9 : memref<128xi32, #tpu.memory_space<vmem>>) target_semaphore(%run_scoped3A : memref<!tpu.dma_semaphore, #tpu.memory_space<semaphore_mem>>)
      %dma_wait3A_21 = tpu.memref_slice %arg5[%mul3A_2] : memref<4096xi32, #tpu.memory_space<hbm>> -> memref<128xi32, #tpu.memory_space<hbm>>
      %dma_wait3A_22 = tpu.memref_slice %arg5[%mul3A_2] : memref<4096xi32, #tpu.memory_space<hbm>> -> memref<128xi32, #tpu.memory_space<hbm>>
      tpu.wait_dma2 semaphore(%run_scoped3A : memref<!tpu.dma_semaphore, #tpu.memory_space<semaphore_mem>>) src(%dma_wait3A_22 : memref<128xi32, #tpu.memory_space<hbm>>) dst(%arg9 : memref<128xi32, #tpu.memory_space<vmem>>)
      tpu.yield
    }) : () -> ()
    %dma_start3A = arith.constant 0 : i32
    %dma_start3A_3 = arith.constant 0 : i32
    %dma_start3A_4 = tpu.memref_slice %arg2[%dma_start3A, %dma_start3A_3] : memref<30000x256xf32, #tpu.memory_space<hbm>> -> memref<30000x256xf32, #tpu.memory_space<hbm>>
    tpu.enqueue_indirect_dma source(%dma_start3A_4 : memref<30000x256xf32, #tpu.memory_space<hbm>>) target(%arg10 : memref<128x256xf32, #tpu.memory_space<vmem>>) offsets(%arg9 : memref<128xi32, #tpu.memory_space<vmem>>) semaphore(%arg12 : memref<!tpu.dma_semaphore, #tpu.memory_space<semaphore_mem>>)
    %dma_wait3A = arith.constant 0 : i32
    %dma_wait3A_5 = arith.constant 0 : i32
    %dma_wait3A_6 = tpu.memref_slice %arg2[%dma_wait3A, %dma_wait3A_5] : memref<30000x256xf32, #tpu.memory_space<hbm>> -> memref<30000x256xf32, #tpu.memory_space<hbm>>
    tpu.wait_indirect_dma semaphore(%arg12 : memref<!tpu.dma_semaphore, #tpu.memory_space<semaphore_mem>>) src(%dma_wait3A_6 : memref<30000x256xf32, #tpu.memory_space<hbm>>) dst(%arg10 : memref<128x256xf32, #tpu.memory_space<vmem>>)
    "tpu.region"() ({
      %run_scoped3A = tpu.sem_alloc : memref<!tpu.dma_semaphore, #tpu.memory_space<semaphore_mem>>
      %dma_start3A_19 = arith.constant 0 : i32
      %dma_start3A_20 = tpu.memref_slice %arg6[%mul3A_2, %dma_start3A_19] : memref<4096x256xf32, #tpu.memory_space<hbm>> -> memref<128x256xf32, #tpu.memory_space<hbm>>
      %dma_start3A_21 = arith.constant 0 : i32
      %dma_start3A_22 = tpu.memref_slice %arg6[%mul3A_2, %dma_start3A_21] : memref<4096x256xf32, #tpu.memory_space<hbm>> -> memref<128x256xf32, #tpu.memory_space<hbm>>
      tpu.enqueue_dma source(%arg10 : memref<128x256xf32, #tpu.memory_space<vmem>>) target(%dma_start3A_22 : memref<128x256xf32, #tpu.memory_space<hbm>>) target_semaphore(%run_scoped3A : memref<!tpu.dma_semaphore, #tpu.memory_space<semaphore_mem>>)
      %dma_wait3A_23 = arith.constant 0 : i32
      %dma_wait3A_24 = tpu.memref_slice %arg6[%mul3A_2, %dma_wait3A_23] : memref<4096x256xf32, #tpu.memory_space<hbm>> -> memref<128x256xf32, #tpu.memory_space<hbm>>
      %dma_wait3A_25 = arith.constant 0 : i32
      %dma_wait3A_26 = tpu.memref_slice %arg6[%mul3A_2, %dma_wait3A_25] : memref<4096x256xf32, #tpu.memory_space<hbm>> -> memref<128x256xf32, #tpu.memory_space<hbm>>
      tpu.wait_dma2 semaphore(%run_scoped3A : memref<!tpu.dma_semaphore, #tpu.memory_space<semaphore_mem>>) src(%arg10 : memref<128x256xf32, #tpu.memory_space<vmem>>) dst(%dma_wait3A_26 : memref<128x256xf32, #tpu.memory_space<hbm>>)
      tpu.yield
    }) : () -> ()
    %dma_start3A_7 = arith.constant 0 : i32
    %dma_start3A_8 = arith.constant 0 : i32
    %dma_start3A_9 = tpu.memref_slice %arg3[%dma_start3A_7, %dma_start3A_8] : memref<30000x256xf32, #tpu.memory_space<hbm>> -> memref<30000x256xf32, #tpu.memory_space<hbm>>
    tpu.enqueue_indirect_dma source(%dma_start3A_9 : memref<30000x256xf32, #tpu.memory_space<hbm>>) target(%arg10 : memref<128x256xf32, #tpu.memory_space<vmem>>) offsets(%arg9 : memref<128xi32, #tpu.memory_space<vmem>>) semaphore(%arg12 : memref<!tpu.dma_semaphore, #tpu.memory_space<semaphore_mem>>)
    %dma_wait3A_10 = arith.constant 0 : i32
    %dma_wait3A_11 = arith.constant 0 : i32
    %dma_wait3A_12 = tpu.memref_slice %arg3[%dma_wait3A_10, %dma_wait3A_11] : memref<30000x256xf32, #tpu.memory_space<hbm>> -> memref<30000x256xf32, #tpu.memory_space<hbm>>
    tpu.wait_indirect_dma semaphore(%arg12 : memref<!tpu.dma_semaphore, #tpu.memory_space<semaphore_mem>>) src(%dma_wait3A_12 : memref<30000x256xf32, #tpu.memory_space<hbm>>) dst(%arg10 : memref<128x256xf32, #tpu.memory_space<vmem>>)
    "tpu.region"() ({
      %run_scoped3A = tpu.sem_alloc : memref<!tpu.dma_semaphore, #tpu.memory_space<semaphore_mem>>
      %dma_start3A_19 = arith.constant 0 : i32
      %dma_start3A_20 = tpu.memref_slice %arg7[%mul3A_2, %dma_start3A_19] : memref<4096x256xf32, #tpu.memory_space<hbm>> -> memref<128x256xf32, #tpu.memory_space<hbm>>
      %dma_start3A_21 = arith.constant 0 : i32
      %dma_start3A_22 = tpu.memref_slice %arg7[%mul3A_2, %dma_start3A_21] : memref<4096x256xf32, #tpu.memory_space<hbm>> -> memref<128x256xf32, #tpu.memory_space<hbm>>
      tpu.enqueue_dma source(%arg10 : memref<128x256xf32, #tpu.memory_space<vmem>>) target(%dma_start3A_22 : memref<128x256xf32, #tpu.memory_space<hbm>>) target_semaphore(%run_scoped3A : memref<!tpu.dma_semaphore, #tpu.memory_space<semaphore_mem>>)
      %dma_wait3A_23 = arith.constant 0 : i32
      %dma_wait3A_24 = tpu.memref_slice %arg7[%mul3A_2, %dma_wait3A_23] : memref<4096x256xf32, #tpu.memory_space<hbm>> -> memref<128x256xf32, #tpu.memory_space<hbm>>
      %dma_wait3A_25 = arith.constant 0 : i32
      %dma_wait3A_26 = tpu.memref_slice %arg7[%mul3A_2, %dma_wait3A_25] : memref<4096x256xf32, #tpu.memory_space<hbm>> -> memref<128x256xf32, #tpu.memory_space<hbm>>
      tpu.wait_dma2 semaphore(%run_scoped3A : memref<!tpu.dma_semaphore, #tpu.memory_space<semaphore_mem>>) src(%arg10 : memref<128x256xf32, #tpu.memory_space<vmem>>) dst(%dma_wait3A_26 : memref<128x256xf32, #tpu.memory_space<hbm>>)
      tpu.yield
    }) : () -> ()
    %dma_start3A_13 = arith.constant 0 : i32
    %dma_start3A_14 = arith.constant 0 : i32
    %dma_start3A_15 = tpu.memref_slice %arg4[%dma_start3A_13, %dma_start3A_14] : memref<30000x512xf32, #tpu.memory_space<hbm>> -> memref<30000x512xf32, #tpu.memory_space<hbm>>
    tpu.enqueue_indirect_dma source(%dma_start3A_15 : memref<30000x512xf32, #tpu.memory_space<hbm>>) target(%arg11 : memref<128x512xf32, #tpu.memory_space<vmem>>) offsets(%arg9 : memref<128xi32, #tpu.memory_space<vmem>>) semaphore(%arg12 : memref<!tpu.dma_semaphore, #tpu.memory_space<semaphore_mem>>)
    %dma_wait3A_16 = arith.constant 0 : i32
    %dma_wait3A_17 = arith.constant 0 : i32
    %dma_wait3A_18 = tpu.memref_slice %arg4[%dma_wait3A_16, %dma_wait3A_17] : memref<30000x512xf32, #tpu.memory_space<hbm>> -> memref<30000x512xf32, #tpu.memory_space<hbm>>
    tpu.wait_indirect_dma semaphore(%arg12 : memref<!tpu.dma_semaphore, #tpu.memory_space<semaphore_mem>>) src(%dma_wait3A_18 : memref<30000x512xf32, #tpu.memory_space<hbm>>) dst(%arg11 : memref<128x512xf32, #tpu.memory_space<vmem>>)
    "tpu.region"() ({
      %run_scoped3A = tpu.sem_alloc : memref<!tpu.dma_semaphore, #tpu.memory_space<semaphore_mem>>
      %dma_start3A_19 = arith.constant 0 : i32
      %dma_start3A_20 = tpu.memref_slice %arg8[%mul3A_2, %dma_start3A_19] : memref<4096x512xf32, #tpu.memory_space<hbm>> -> memref<128x512xf32, #tpu.memory_space<hbm>>
      %dma_start3A_21 = arith.constant 0 : i32
      %dma_start3A_22 = tpu.memref_slice %arg8[%mul3A_2, %dma_start3A_21] : memref<4096x512xf32, #tpu.memory_space<hbm>> -> memref<128x512xf32, #tpu.memory_space<hbm>>
      tpu.enqueue_dma source(%arg11 : memref<128x512xf32, #tpu.memory_space<vmem>>) target(%dma_start3A_22 : memref<128x512xf32, #tpu.memory_space<hbm>>) target_semaphore(%run_scoped3A : memref<!tpu.dma_semaphore, #tpu.memory_space<semaphore_mem>>)
      %dma_wait3A_23 = arith.constant 0 : i32
      %dma_wait3A_24 = tpu.memref_slice %arg8[%mul3A_2, %dma_wait3A_23] : memref<4096x512xf32, #tpu.memory_space<hbm>> -> memref<128x512xf32, #tpu.memory_space<hbm>>
      %dma_wait3A_25 = arith.constant 0 : i32
      %dma_wait3A_26 = tpu.memref_slice %arg8[%mul3A_2, %dma_wait3A_25] : memref<4096x512xf32, #tpu.memory_space<hbm>> -> memref<128x512xf32, #tpu.memory_space<hbm>>
      tpu.wait_dma2 semaphore(%run_scoped3A : memref<!tpu.dma_semaphore, #tpu.memory_space<semaphore_mem>>) src(%arg11 : memref<128x512xf32, #tpu.memory_space<vmem>>) dst(%dma_wait3A_26 : memref<128x512xf32, #tpu.memory_space<hbm>>)
      tpu.yield
    }) : () -> ()
    return
  }
}

module attributes {stable_mosaic.version = 14 : i64} {
  func.func @_mega_body(%arg0: memref<4096xi32, #tpu.memory_space<vmem>>, %arg1: memref<4096xf32, #tpu.memory_space<vmem>>, %arg2: memref<4096x256xf32, #tpu.memory_space<vmem>>, %arg3: memref<4096x256xf32, #tpu.memory_space<vmem>>, %arg4: memref<4096x512xf32, #tpu.memory_space<vmem>>, %arg5: memref<1x256xf32, #tpu.memory_space<vmem>>, %arg6: memref<64xf32, #tpu.memory_space<vmem>>, %arg7: memref<64xf32, #tpu.memory_space<vmem>>, %arg8: memref<256x50xf32, #tpu.memory_space<vmem>>, %arg9: memref<512x256xf32, #tpu.memory_space<vmem>>, %arg10: memref<512xf32, #tpu.memory_space<vmem>>, %arg11: memref<256xf32, #tpu.memory_space<vmem>>, %arg12: memref<256x50xf32, #tpu.memory_space<vmem>>, %arg13: memref<50xf32, #tpu.memory_space<vmem>>, %arg14: memref<256x50xf32, #tpu.memory_space<vmem>>, %arg15: memref<50xf32, #tpu.memory_space<vmem>>, %arg16: memref<50x50xf32, #tpu.memory_space<vmem>>, %arg17: memref<50xf32, #tpu.memory_space<vmem>>, %arg18: memref<512x256xf32, #tpu.memory_space<vmem>>, %arg19: memref<256xf32, #tpu.memory_space<vmem>>, %arg20: memref<256x1024xf32, #tpu.memory_space<vmem>>, %arg21: memref<256x1024xf32, #tpu.memory_space<vmem>>, %arg22: memref<1024xf32, #tpu.memory_space<vmem>>, %arg23: memref<1024xf32, #tpu.memory_space<vmem>>, %arg24: memref<256x1024xf32, #tpu.memory_space<vmem>>, %arg25: memref<256x1024xf32, #tpu.memory_space<vmem>>, %arg26: memref<1024xf32, #tpu.memory_space<vmem>>, %arg27: memref<1024xf32, #tpu.memory_space<vmem>>, %arg28: memref<512x128xf32, #tpu.memory_space<vmem>>, %arg29: memref<128xf32, #tpu.memory_space<vmem>>, %arg30: memref<256xi32, #tpu.memory_space<vmem>>, %arg31: memref<256xi32, #tpu.memory_space<vmem>>, %arg32: memref<16x128xf32, #tpu.memory_space<vmem>>, %arg33: memref<1x1xf32, #tpu.memory_space<vmem>>, %arg34: memref<512x16x256xf32, #tpu.memory_space<vmem>>) attributes {dimension_semantics = [], scalar_prefetch = 0 : i64, scratch_operands = 1 : i64, tpu.core_type = #tpu.core_type<tc>} {
    %get3A = arith.constant 0 : index
    %get3A_0 = vector.load %arg0[%get3A] : memref<4096xi32, #tpu.memory_space<vmem>>, vector<4096xi32>
    %get3A_1 = arith.constant 0 : index
    %get3A_2 = vector.load %arg1[%get3A_1] : memref<4096xf32, #tpu.memory_space<vmem>>, vector<4096xf32>
    %get3A_3 = arith.constant 0 : index
    %get3A_4 = arith.constant 0 : index
    %get3A_5 = vector.load %arg2[%get3A_3, %get3A_4] : memref<4096x256xf32, #tpu.memory_space<vmem>>, vector<4096x256xf32>
    %get3A_6 = arith.constant 0 : index
    %get3A_7 = arith.constant 0 : index
    %get3A_8 = vector.load %arg5[%get3A_6, %get3A_7] : memref<1x256xf32, #tpu.memory_space<vmem>>, vector<1x256xf32>
    %iota3A = tpu.iota {dimensions = array<i32: 0>} : vector<16x4096xi32>
    %broadcast_in_dim3A = vector.shape_cast %get3A_0 : vector<4096xi32> to vector<1x4096xi32>
    %eq3A = vector.broadcast %broadcast_in_dim3A : vector<1x4096xi32> to vector<16x4096xi32>
    %eq3A_9 = arith.cmpi eq, %eq3A, %iota3A : vector<16x4096xi32>
    %broadcast_in_dim3A_10 = vector.shape_cast %get3A_2 : vector<4096xf32> to vector<1x4096xf32>
    %jit3A = arith.constant 0.000000e+00 : f32
    %broadcast_in_dim3A_11 = vector.shape_cast %broadcast_in_dim3A_10 : vector<1x4096xf32> to vector<1x4096xf32>
    %broadcast_in_dim3A_12 = vector.broadcast %broadcast_in_dim3A_11 : vector<1x4096xf32> to vector<16x4096xf32>
    %broadcast_in_dim3A_13 = vector.broadcast %jit3A : f32 to vector<16x4096xf32>
    %select_n3A = arith.select %eq3A_9, %broadcast_in_dim3A_12, %broadcast_in_dim3A_13 : vector<16x4096xi1>, vector<16x4096xf32>
    %convert_element_type3A = arith.extui %eq3A_9 : vector<16x4096xi1> to vector<16x4096xi32>
    %reduce_sum3A = arith.constant dense<0> : vector<16xi32>
    %reduce_sum3A_14 = vector.multi_reduction <add>, %convert_element_type3A, %reduce_sum3A [1] : vector<16x4096xi32> to vector<16xi32>
    %reduce_max3A = vector.shape_cast %reduce_sum3A_14 : vector<16xi32> to vector<1x16xi32>
    %reduce_max3A_15 = arith.constant dense<-2147483648> : vector<1xi32>
    %reduce_max3A_16 = vector.multi_reduction <maxsi>, %reduce_max3A, %reduce_max3A_15 [1] : vector<1x16xi32> to vector<1xi32>
    %reduce_max3A_17 = vector.shape_cast %reduce_max3A_16 : vector<1xi32> to vector<1x1xi32>
    %reduce_max3A_18 = vector.extract %reduce_max3A_17[0, 0] : i32 from vector<1x1xi32>
    %min3A = arith.constant 512 : i32
    %min3A_19 = arith.minsi %reduce_max3A_18, %min3A : i32
    %get3A_20 = arith.constant 0 : index
    %get3A_21 = arith.constant 0 : index
    %get3A_22 = vector.load %arg4[%get3A_20, %get3A_21] : memref<4096x512xf32, #tpu.memory_space<vmem>>, vector<4096x512xf32>
    %dot_general3A = arith.constant dense<0.000000e+00> : vector<16x512xf32>
    %dot_general3A_23 = tpu.matmul %select_n3A, %get3A_22, %dot_general3A {dimension_numbers = #tpu.dot_dimension_numbers<[1], [0], [0], [1], [0, 0, 1, 1], [], []>, transpose_lhs_hint = false} : vector<16x4096xf32>, vector<4096x512xf32>, vector<16x512xf32> -> vector<16x512xf32>
    %get3A_24 = arith.constant 0 : index
    %get3A_25 = vector.load %arg10[%get3A_24] : memref<512xf32, #tpu.memory_space<vmem>>, vector<512xf32>
    %broadcast_in_dim3A_26 = vector.shape_cast %get3A_25 : vector<512xf32> to vector<1x512xf32>
    %add3A = vector.broadcast %broadcast_in_dim3A_26 : vector<1x512xf32> to vector<16x512xf32>
    %add3A_27 = arith.addf %dot_general3A_23, %add3A : vector<16x512xf32>
    %tanh3A = math.tanh %add3A_27 : vector<16x512xf32>
    %get3A_28 = arith.constant 0 : index
    %get3A_29 = arith.constant 0 : index
    %get3A_30 = vector.load %arg9[%get3A_28, %get3A_29] : memref<512x256xf32, #tpu.memory_space<vmem>>, vector<512x256xf32>
    %dot_general3A_31 = arith.constant dense<0.000000e+00> : vector<16x256xf32>
    %dot_general3A_32 = tpu.matmul %tanh3A, %get3A_30, %dot_general3A_31 {dimension_numbers = #tpu.dot_dimension_numbers<[1], [0], [0], [1], [0, 0, 1, 1], [], []>, transpose_lhs_hint = false} : vector<16x512xf32>, vector<512x256xf32>, vector<16x256xf32> -> vector<16x256xf32>
    %get3A_33 = arith.constant 0 : index
    %get3A_34 = vector.load %arg11[%get3A_33] : memref<256xf32, #tpu.memory_space<vmem>>, vector<256xf32>
    %broadcast_in_dim3A_35 = vector.shape_cast %get3A_34 : vector<256xf32> to vector<1x256xf32>
    %add3A_36 = vector.broadcast %broadcast_in_dim3A_35 : vector<1x256xf32> to vector<16x256xf32>
    %add3A_37 = arith.addf %dot_general3A_32, %add3A_36 : vector<16x256xf32>
    %tanh3A_38 = math.tanh %add3A_37 : vector<16x256xf32>
    %get3A_39 = arith.constant 0 : index
    %get3A_40 = arith.constant 0 : index
    %get3A_41 = vector.load %arg12[%get3A_39, %get3A_40] : memref<256x50xf32, #tpu.memory_space<vmem>>, vector<256x50xf32>
    %dot_general3A_42 = arith.constant dense<0.000000e+00> : vector<16x50xf32>
    %dot_general3A_43 = tpu.matmul %tanh3A_38, %get3A_41, %dot_general3A_42 {dimension_numbers = #tpu.dot_dimension_numbers<[1], [0], [0], [1], [0, 0, 1, 1], [], []>, transpose_lhs_hint = false} : vector<16x256xf32>, vector<256x50xf32>, vector<16x50xf32> -> vector<16x50xf32>
    %get3A_44 = arith.constant 0 : index
    %get3A_45 = vector.load %arg13[%get3A_44] : memref<50xf32, #tpu.memory_space<vmem>>, vector<50xf32>
    %broadcast_in_dim3A_46 = vector.shape_cast %get3A_45 : vector<50xf32> to vector<1x50xf32>
    %add3A_47 = vector.broadcast %broadcast_in_dim3A_46 : vector<1x50xf32> to vector<16x50xf32>
    %add3A_48 = arith.addf %dot_general3A_43, %add3A_47 : vector<16x50xf32>
    %get3A_49 = arith.constant 0 : index
    %get3A_50 = arith.constant 0 : index
    %get3A_51 = vector.load %arg14[%get3A_49, %get3A_50] : memref<256x50xf32, #tpu.memory_space<vmem>>, vector<256x50xf32>
    %dot_general3A_52 = arith.constant dense<0.000000e+00> : vector<16x50xf32>
    %dot_general3A_53 = tpu.matmul %tanh3A_38, %get3A_51, %dot_general3A_52 {dimension_numbers = #tpu.dot_dimension_numbers<[1], [0], [0], [1], [0, 0, 1, 1], [], []>, transpose_lhs_hint = false} : vector<16x256xf32>, vector<256x50xf32>, vector<16x50xf32> -> vector<16x50xf32>
    %get3A_54 = arith.constant 0 : index
    %get3A_55 = vector.load %arg15[%get3A_54] : memref<50xf32, #tpu.memory_space<vmem>>, vector<50xf32>
    %broadcast_in_dim3A_56 = vector.shape_cast %get3A_55 : vector<50xf32> to vector<1x50xf32>
    %add3A_57 = vector.broadcast %broadcast_in_dim3A_56 : vector<1x50xf32> to vector<16x50xf32>
    %add3A_58 = arith.addf %dot_general3A_53, %add3A_57 : vector<16x50xf32>
    %get3A_59 = arith.constant 0 : index
    %get3A_60 = arith.constant 0 : index
    %get3A_61 = vector.load %arg16[%get3A_59, %get3A_60] : memref<50x50xf32, #tpu.memory_space<vmem>>, vector<50x50xf32>
    %dot_general3A_62 = arith.constant dense<0.000000e+00> : vector<16x50xf32>
    %dot_general3A_63 = tpu.matmul %add3A_48, %get3A_61, %dot_general3A_62 {dimension_numbers = #tpu.dot_dimension_numbers<[1], [0], [0], [1], [0, 0, 1, 1], [], []>, transpose_lhs_hint = false} : vector<16x50xf32>, vector<50x50xf32>, vector<16x50xf32> -> vector<16x50xf32>
    %get3A_64 = arith.constant 0 : index
    %get3A_65 = vector.load %arg17[%get3A_64] : memref<50xf32, #tpu.memory_space<vmem>>, vector<50xf32>
    %broadcast_in_dim3A_66 = vector.shape_cast %get3A_65 : vector<50xf32> to vector<1x50xf32>
    %add3A_67 = vector.broadcast %broadcast_in_dim3A_66 : vector<1x50xf32> to vector<16x50xf32>
    %add3A_68 = arith.addf %dot_general3A_63, %add3A_67 : vector<16x50xf32>
    %reduce_max3A_69 = arith.constant dense<0xFF800000> : vector<16xf32>
    %reduce_max3A_70 = vector.multi_reduction <maximumf>, %add3A_68, %reduce_max3A_69 [1] : vector<16x50xf32> to vector<16xf32>
    %broadcast_in_dim3A_71 = vector.shape_cast %reduce_max3A_70 : vector<16xf32> to vector<16x1xf32>
    %sub3A = vector.broadcast %broadcast_in_dim3A_71 : vector<16x1xf32> to vector<16x50xf32>
    %sub3A_72 = arith.subf %add3A_68, %sub3A : vector<16x50xf32>
    %exp3A = math.exp %sub3A_72 : vector<16x50xf32>
    %reduce_sum3A_73 = arith.constant dense<0.000000e+00> : vector<16xf32>
    %reduce_sum3A_74 = vector.multi_reduction <add>, %exp3A, %reduce_sum3A_73 [1] : vector<16x50xf32> to vector<16xf32>
    %broadcast_in_dim3A_75 = vector.shape_cast %reduce_sum3A_74 : vector<16xf32> to vector<16x1xf32>
    %div3A = vector.broadcast %broadcast_in_dim3A_75 : vector<16x1xf32> to vector<16x50xf32>
    %div3A_76 = arith.divf %exp3A, %div3A : vector<16x50xf32>
    %mul3A = arith.mulf %add3A_48, %add3A_48 : vector<16x50xf32>
    %sub3A_77 = arith.constant 1.000000e+00 : f32
    %sub3A_78 = vector.broadcast %sub3A_77 : f32 to vector<16x50xf32>
    %sub3A_79 = arith.subf %sub3A_78, %mul3A : vector<16x50xf32>
    %add3A_80 = arith.addf %sub3A_79, %add3A_58 : vector<16x50xf32>
    %exp3A_81 = math.exp %add3A_58 : vector<16x50xf32>
    %sub3A_82 = arith.subf %add3A_80, %exp3A_81 : vector<16x50xf32>
    %reduce_sum3A_83 = arith.constant dense<0.000000e+00> : vector<16xf32>
    %reduce_sum3A_84 = vector.multi_reduction <add>, %sub3A_82, %reduce_sum3A_83 [1] : vector<16x50xf32> to vector<16xf32>
    %mul3A_85 = arith.constant -5.000000e-01 : f32
    %mul3A_86 = vector.broadcast %mul3A_85 : f32 to vector<16xf32>
    %mul3A_87 = arith.mulf %mul3A_86, %reduce_sum3A_84 : vector<16xf32>
    %get3A_88 = arith.constant 0 : index
    %get3A_89 = arith.constant 0 : index
    %get3A_90 = vector.load %arg8[%get3A_88, %get3A_89] : memref<256x50xf32, #tpu.memory_space<vmem>>, vector<256x50xf32>
    %get3A_91 = arith.constant 0 : index
    %get3A_92 = arith.constant 0 : index
    %get3A_93 = vector.load %arg3[%get3A_91, %get3A_92] : memref<4096x256xf32, #tpu.memory_space<vmem>>, vector<4096x256xf32>
    %dot_general3A_94 = arith.constant dense<0.000000e+00> : vector<4096x50xf32>
    %dot_general3A_95 = tpu.matmul %get3A_93, %get3A_90, %dot_general3A_94 {dimension_numbers = #tpu.dot_dimension_numbers<[1], [0], [0], [1], [0, 0, 1, 1], [], []>, transpose_lhs_hint = false} : vector<4096x256xf32>, vector<256x50xf32>, vector<4096x50xf32> -> vector<4096x50xf32>
    %get3A_96 = arith.constant 0 : index
    %get3A_97 = vector.load %arg6[%get3A_96] : memref<64xf32, #tpu.memory_space<vmem>>, vector<64xf32>
    %slice3A = vector.extract_strided_slice %get3A_97 {offsets = [0], sizes = [50], strides = [1]} : vector<64xf32> to vector<50xf32>
    %get3A_98 = arith.constant 0 : index
    %get3A_99 = vector.load %arg7[%get3A_98] : memref<64xf32, #tpu.memory_space<vmem>>, vector<64xf32>
    %slice3A_100 = vector.extract_strided_slice %get3A_99 {offsets = [0], sizes = [50], strides = [1]} : vector<64xf32> to vector<50xf32>
    %broadcast_in_dim3A_101 = vector.shape_cast %slice3A : vector<50xf32> to vector<1x50xf32>
    %sub3A_102 = vector.broadcast %broadcast_in_dim3A_101 : vector<1x50xf32> to vector<4096x50xf32>
    %sub3A_103 = arith.subf %dot_general3A_95, %sub3A_102 : vector<4096x50xf32>
    %exp3A_104 = math.exp %sub3A_103 : vector<4096x50xf32>
    %broadcast_in_dim3A_105 = vector.shape_cast %slice3A_100 : vector<50xf32> to vector<1x50xf32>
    %div3A_106 = vector.broadcast %broadcast_in_dim3A_105 : vector<1x50xf32> to vector<4096x50xf32>
    %div3A_107 = arith.divf %exp3A_104, %div3A_106 : vector<4096x50xf32>
    %broadcast_in_dim3A_108 = vector.shape_cast %get3A_0 : vector<4096xi32> to vector<4096x1xi32>
    %iota3A_109 = tpu.iota {dimensions = array<i32: 1>} : vector<4096x16xi32>
    %eq3A_110 = vector.broadcast %broadcast_in_dim3A_108 : vector<4096x1xi32> to vector<4096x16xi32>
    %eq3A_111 = arith.cmpi eq, %eq3A_110, %iota3A_109 : vector<4096x16xi32>
    %convert_element_type3A_112 = arith.extui %eq3A_111 : vector<4096x16xi1> to vector<4096x16xi32>
    %convert_element_type3A_113 = arith.sitofp %convert_element_type3A_112 : vector<4096x16xi32> to vector<4096x16xf32>
    %dot_general3A_114 = arith.constant dense<0.000000e+00> : vector<4096x50xf32>
    %dot_general3A_115 = tpu.matmul %convert_element_type3A_113, %div3A_76, %dot_general3A_114 {dimension_numbers = #tpu.dot_dimension_numbers<[1], [0], [0], [1], [0, 0, 1, 1], [], []>, transpose_lhs_hint = false} : vector<4096x16xf32>, vector<16x50xf32>, vector<4096x50xf32> -> vector<4096x50xf32>
    %mul3A_116 = arith.mulf %dot_general3A_115, %div3A_107 : vector<4096x50xf32>
    %reduce_sum3A_117 = arith.constant dense<0.000000e+00> : vector<4096xf32>
    %reduce_sum3A_118 = vector.multi_reduction <add>, %mul3A_116, %reduce_sum3A_117 [1] : vector<4096x50xf32> to vector<4096xf32>
    %add3A_119 = arith.constant 1.000000e-10 : f32
    %add3A_120 = vector.broadcast %add3A_119 : f32 to vector<4096xf32>
    %add3A_121 = arith.addf %reduce_sum3A_118, %add3A_120 : vector<4096xf32>
    %log3A = math.log %add3A_121 : vector<4096xf32>
    %broadcast_in_dim3A_122 = vector.shape_cast %log3A : vector<4096xf32> to vector<4096x1xf32>
    %dot_general3A_123 = arith.constant dense<0.000000e+00> : vector<16x1xf32>
    %dot_general3A_124 = tpu.matmul %select_n3A, %broadcast_in_dim3A_122, %dot_general3A_123 {dimension_numbers = #tpu.dot_dimension_numbers<[1], [0], [0], [1], [0, 0, 1, 1], [], []>, transpose_lhs_hint = false} : vector<16x4096xf32>, vector<4096x1xf32>, vector<16x1xf32> -> vector<16x1xf32>
    %squeeze3A = vector.shape_cast %dot_general3A_124 : vector<16x1xf32> to vector<16xf32>
    %neg3A = arith.constant 0.000000e+00 : f32
    %neg3A_125 = vector.broadcast %neg3A : f32 to vector<16xf32>
    %neg3A_126 = arith.subf %neg3A_125, %squeeze3A : vector<16xf32>
    %add3A_127 = arith.addf %neg3A_126, %mul3A_87 : vector<16xf32>
    %reduce_sum3A_128 = vector.shape_cast %add3A_127 : vector<16xf32> to vector<1x16xf32>
    %reduce_sum3A_129 = arith.constant dense<0.000000e+00> : vector<1xf32>
    %reduce_sum3A_130 = vector.multi_reduction <add>, %reduce_sum3A_128, %reduce_sum3A_129 [1] : vector<1x16xf32> to vector<1xf32>
    %reduce_sum3A_131 = vector.shape_cast %reduce_sum3A_130 : vector<1xf32> to vector<1x1xf32>
    %reduce_sum3A_132 = vector.extract %reduce_sum3A_131[0, 0] : f32 from vector<1x1xf32>
    %div3A_133 = arith.constant 1.600000e+01 : f32
    %div3A_134 = arith.divf %reduce_sum3A_132, %div3A_133 : f32
    %iota3A_135 = tpu.iota {dimensions = array<i32: 0>} : vector<16x16xi32>
    %iota3A_136 = tpu.iota {dimensions = array<i32: 1>} : vector<16x16xi32>
    %lt3A = arith.cmpi slt, %iota3A_136, %iota3A_135 : vector<16x16xi32>
    %convert_element_type3A_137 = arith.extui %lt3A : vector<16x16xi1> to vector<16x16xi32>
    %convert_element_type3A_138 = arith.sitofp %convert_element_type3A_137 : vector<16x16xi32> to vector<16x16xf32>
    %convert_element_type3A_139 = arith.sitofp %reduce_sum3A_14 : vector<16xi32> to vector<16xf32>
    %broadcast_in_dim3A_140 = vector.shape_cast %convert_element_type3A_139 : vector<16xf32> to vector<16x1xf32>
    %dot_general3A_141 = arith.constant dense<0.000000e+00> : vector<16x1xf32>
    %dot_general3A_142 = tpu.matmul %convert_element_type3A_138, %broadcast_in_dim3A_140, %dot_general3A_141 {dimension_numbers = #tpu.dot_dimension_numbers<[1], [0], [0], [1], [0, 0, 1, 1], [], []>, transpose_lhs_hint = false} : vector<16x16xf32>, vector<16x1xf32>, vector<16x1xf32> -> vector<16x1xf32>
    %squeeze3A_143 = vector.shape_cast %dot_general3A_142 : vector<16x1xf32> to vector<16xf32>
    %convert_element_type3A_144 = arith.fptosi %squeeze3A_143 : vector<16xf32> to vector<16xi32>
    %iota3A_145 = tpu.iota {dimensions = array<i32: 1>} : vector<16x4096xi32>
    %get3A_146 = arith.constant 0 : index
    %get3A_147 = arith.constant 0 : index
    %get3A_148 = vector.load %arg24[%get3A_146, %get3A_147] : memref<256x1024xf32, #tpu.memory_space<vmem>>, vector<256x1024xf32>
    %get3A_149 = arith.constant 0 : index
    %get3A_150 = arith.constant 0 : index
    %get3A_151 = vector.load %arg25[%get3A_149, %get3A_150] : memref<256x1024xf32, #tpu.memory_space<vmem>>, vector<256x1024xf32>
    %get3A_152 = arith.constant 0 : index
    %get3A_153 = vector.load %arg26[%get3A_152] : memref<1024xf32, #tpu.memory_space<vmem>>, vector<1024xf32>
    %get3A_154 = arith.constant 0 : index
    %get3A_155 = vector.load %arg27[%get3A_154] : memref<1024xf32, #tpu.memory_space<vmem>>, vector<1024xf32>
    %broadcast_in_dim3A_156 = arith.constant 0.000000e+00 : f32
    %broadcast_in_dim3A_157 = vector.broadcast %broadcast_in_dim3A_156 : f32 to vector<16x256xf32>
    %while3A = arith.constant 0 : i32
    %while3A_158 = arith.subi %min3A_19, %while3A : i32
    %while3A_159 = arith.addi %while3A, %while3A_158 : i32
    %while3A_160 = arith.constant 1 : i32
    %while3A_161 = arith.divsi %while3A_158, %while3A_160 : i32
    %while3A_162 = arith.muli %while3A_161, %while3A_160 : i32
    %while3A_163 = arith.addi %while3A, %while3A_162 : i32
    %while3A_164 = arith.constant 1 : i32
    %while3A_165:2 = scf.for %while3A_273 = %while3A to %while3A_163 step %while3A_164 iter_args(%while3A_274 = %broadcast_in_dim3A_157, %while3A_275 = %broadcast_in_dim3A_157) -> (vector<16x256xf32>, vector<16x256xf32>)  : i32 {
      %sub3A_276 = arith.constant 1 : i32
      %sub3A_277 = arith.subi %min3A_19, %sub3A_276 : i32
      %sub3A_278 = arith.subi %sub3A_277, %while3A_273 : i32
      %broadcast_in_dim3A_279 = vector.shape_cast %convert_element_type3A_144 : vector<16xi32> to vector<16x1xi32>
      %add3A_280 = vector.broadcast %sub3A_278 : i32 to vector<16x1xi32>
      %add3A_281 = arith.addi %broadcast_in_dim3A_279, %add3A_280 : vector<16x1xi32>
      %eq3A_282 = vector.broadcast %add3A_281 : vector<16x1xi32> to vector<16x4096xi32>
      %eq3A_283 = arith.cmpi eq, %iota3A_145, %eq3A_282 : vector<16x4096xi32>
      %broadcast_in_dim3A_284 = vector.shape_cast %reduce_sum3A_14 : vector<16xi32> to vector<16x1xi32>
      %lt3A_285 = vector.broadcast %sub3A_278 : i32 to vector<16x1xi32>
      %lt3A_286 = arith.cmpi slt, %lt3A_285, %broadcast_in_dim3A_284 : vector<16x1xi32>
      %and3A = vector.broadcast %lt3A_286 : vector<16x1xi1> to vector<16x4096xi1>
      %and3A_287 = arith.andi %eq3A_283, %and3A : vector<16x4096xi1>
      %ge3A = vector.broadcast %sub3A_278 : i32 to vector<16xi32>
      %ge3A_288 = arith.cmpi sge, %ge3A, %reduce_sum3A_14 : vector<16xi32>
      %convert_element_type3A_289 = arith.extui %ge3A_288 : vector<16xi1> to vector<16xi32>
      %convert_element_type3A_290 = arith.sitofp %convert_element_type3A_289 : vector<16xi32> to vector<16xf32>
      %convert_element_type3A_291 = arith.extui %and3A_287 : vector<16x4096xi1> to vector<16x4096xi32>
      %convert_element_type3A_292 = arith.sitofp %convert_element_type3A_291 : vector<16x4096xi32> to vector<16x4096xf32>
      %dot_general3A_293 = arith.constant dense<0.000000e+00> : vector<16x256xf32>
      %dot_general3A_294 = tpu.matmul %convert_element_type3A_292, %get3A_5, %dot_general3A_293 {dimension_numbers = #tpu.dot_dimension_numbers<[1], [0], [0], [1], [0, 0, 1, 1], [], []>, transpose_lhs_hint = false} : vector<16x4096xf32>, vector<4096x256xf32>, vector<16x256xf32> -> vector<16x256xf32>
      %broadcast_in_dim3A_295 = vector.shape_cast %convert_element_type3A_290 : vector<16xf32> to vector<16x1xf32>
      %mul3A_296 = vector.broadcast %broadcast_in_dim3A_295 : vector<16x1xf32> to vector<16x256xf32>
      %mul3A_297 = vector.broadcast %get3A_8 : vector<1x256xf32> to vector<16x256xf32>
      %mul3A_298 = arith.mulf %mul3A_296, %mul3A_297 : vector<16x256xf32>
      %add3A_299 = arith.addf %dot_general3A_294, %mul3A_298 : vector<16x256xf32>
      %dot_general3A_300 = arith.constant dense<0.000000e+00> : vector<16x1024xf32>
      %dot_general3A_301 = tpu.matmul %add3A_299, %get3A_148, %dot_general3A_300 {dimension_numbers = #tpu.dot_dimension_numbers<[1], [0], [0], [1], [0, 0, 1, 1], [], []>, transpose_lhs_hint = false} : vector<16x256xf32>, vector<256x1024xf32>, vector<16x1024xf32> -> vector<16x1024xf32>
      %broadcast_in_dim3A_302 = vector.shape_cast %get3A_153 : vector<1024xf32> to vector<1x1024xf32>
      %add3A_303 = vector.broadcast %broadcast_in_dim3A_302 : vector<1x1024xf32> to vector<16x1024xf32>
      %add3A_304 = arith.addf %dot_general3A_301, %add3A_303 : vector<16x1024xf32>
      %dot_general3A_305 = arith.constant dense<0.000000e+00> : vector<16x1024xf32>
      %dot_general3A_306 = tpu.matmul %while3A_274, %get3A_151, %dot_general3A_305 {dimension_numbers = #tpu.dot_dimension_numbers<[1], [0], [0], [1], [0, 0, 1, 1], [], []>, transpose_lhs_hint = false} : vector<16x256xf32>, vector<256x1024xf32>, vector<16x1024xf32> -> vector<16x1024xf32>
      %add3A_307 = arith.addf %add3A_304, %dot_general3A_306 : vector<16x1024xf32>
      %broadcast_in_dim3A_308 = vector.shape_cast %get3A_155 : vector<1024xf32> to vector<1x1024xf32>
      %add3A_309 = vector.broadcast %broadcast_in_dim3A_308 : vector<1x1024xf32> to vector<16x1024xf32>
      %add3A_310 = arith.addf %add3A_307, %add3A_309 : vector<16x1024xf32>
      %slice3A_311 = vector.extract_strided_slice %add3A_310 {offsets = [0, 0], sizes = [16, 256], strides = [1, 1]} : vector<16x1024xf32> to vector<16x256xf32>
      %logistic3A_312 = arith.negf %slice3A_311 : vector<16x256xf32>
      %logistic3A_313 = math.exp %logistic3A_312 : vector<16x256xf32>
      %logistic3A_314 = arith.constant 1.000000e+00 : f32
      %logistic3A_315 = vector.broadcast %logistic3A_314 : f32 to vector<16x256xf32>
      %logistic3A_316 = arith.addf %logistic3A_315, %logistic3A_313 : vector<16x256xf32>
      %logistic3A_317 = arith.divf %logistic3A_315, %logistic3A_316 : vector<16x256xf32>
      %slice3A_318 = vector.extract_strided_slice %add3A_310 {offsets = [0, 256], sizes = [16, 256], strides = [1, 1]} : vector<16x1024xf32> to vector<16x256xf32>
      %logistic3A_319 = arith.negf %slice3A_318 : vector<16x256xf32>
      %logistic3A_320 = math.exp %logistic3A_319 : vector<16x256xf32>
      %logistic3A_321 = arith.constant 1.000000e+00 : f32
      %logistic3A_322 = vector.broadcast %logistic3A_321 : f32 to vector<16x256xf32>
      %logistic3A_323 = arith.addf %logistic3A_322, %logistic3A_320 : vector<16x256xf32>
      %logistic3A_324 = arith.divf %logistic3A_322, %logistic3A_323 : vector<16x256xf32>
      %slice3A_325 = vector.extract_strided_slice %add3A_310 {offsets = [0, 512], sizes = [16, 256], strides = [1, 1]} : vector<16x1024xf32> to vector<16x256xf32>
      %tanh3A_326 = math.tanh %slice3A_325 : vector<16x256xf32>
      %slice3A_327 = vector.extract_strided_slice %add3A_310 {offsets = [0, 768], sizes = [16, 256], strides = [1, 1]} : vector<16x1024xf32> to vector<16x256xf32>
      %logistic3A_328 = arith.negf %slice3A_327 : vector<16x256xf32>
      %logistic3A_329 = math.exp %logistic3A_328 : vector<16x256xf32>
      %logistic3A_330 = arith.constant 1.000000e+00 : f32
      %logistic3A_331 = vector.broadcast %logistic3A_330 : f32 to vector<16x256xf32>
      %logistic3A_332 = arith.addf %logistic3A_331, %logistic3A_329 : vector<16x256xf32>
      %logistic3A_333 = arith.divf %logistic3A_331, %logistic3A_332 : vector<16x256xf32>
      %mul3A_334 = arith.mulf %logistic3A_324, %while3A_275 : vector<16x256xf32>
      %mul3A_335 = arith.mulf %logistic3A_317, %tanh3A_326 : vector<16x256xf32>
      %add3A_336 = arith.addf %mul3A_334, %mul3A_335 : vector<16x256xf32>
      %tanh3A_337 = math.tanh %add3A_336 : vector<16x256xf32>
      %mul3A_338 = arith.mulf %logistic3A_333, %tanh3A_337 : vector<16x256xf32>
      %broadcast_in_dim3A_339 = vector.shape_cast %mul3A_338 : vector<16x256xf32> to vector<1x16x256xf32>
      %swap3A_340 = arith.index_cast %sub3A_278 : i32 to index
      %swap3A_341 = arith.constant 0 : index
      %swap3A_342 = arith.constant 0 : index
      %swap3A_343 = vector.load %arg34[%swap3A_340, %swap3A_341, %swap3A_342] : memref<512x16x256xf32, #tpu.memory_space<vmem>>, vector<1x16x256xf32>
      tpu.vector_store %arg34[%swap3A_340, %swap3A_341, %swap3A_342], %broadcast_in_dim3A_339 {strides = array<i32>} : memref<512x16x256xf32, #tpu.memory_space<vmem>>, vector<1x16x256xf32>,
      scf.yield %mul3A_338, %add3A_336 : vector<16x256xf32>, vector<16x256xf32>
    }
    %while3A_166 = arith.constant 1 : i32
    %while3A_167:2 = scf.for %while3A_273 = %while3A_163 to %while3A_159 step %while3A_166 iter_args(%while3A_274 = %while3A_165#0, %while3A_275 = %while3A_165#1) -> (vector<16x256xf32>, vector<16x256xf32>)  : i32 {
      %sub3A_276 = arith.constant 1 : i32
      %sub3A_277 = arith.subi %min3A_19, %sub3A_276 : i32
      %sub3A_278 = arith.subi %sub3A_277, %while3A_273 : i32
      %broadcast_in_dim3A_279 = vector.shape_cast %convert_element_type3A_144 : vector<16xi32> to vector<16x1xi32>
      %add3A_280 = vector.broadcast %sub3A_278 : i32 to vector<16x1xi32>
      %add3A_281 = arith.addi %broadcast_in_dim3A_279, %add3A_280 : vector<16x1xi32>
      %eq3A_282 = vector.broadcast %add3A_281 : vector<16x1xi32> to vector<16x4096xi32>
      %eq3A_283 = arith.cmpi eq, %iota3A_145, %eq3A_282 : vector<16x4096xi32>
      %broadcast_in_dim3A_284 = vector.shape_cast %reduce_sum3A_14 : vector<16xi32> to vector<16x1xi32>
      %lt3A_285 = vector.broadcast %sub3A_278 : i32 to vector<16x1xi32>
      %lt3A_286 = arith.cmpi slt, %lt3A_285, %broadcast_in_dim3A_284 : vector<16x1xi32>
      %and3A = vector.broadcast %lt3A_286 : vector<16x1xi1> to vector<16x4096xi1>
      %and3A_287 = arith.andi %eq3A_283, %and3A : vector<16x4096xi1>
      %ge3A = vector.broadcast %sub3A_278 : i32 to vector<16xi32>
      %ge3A_288 = arith.cmpi sge, %ge3A, %reduce_sum3A_14 : vector<16xi32>
      %convert_element_type3A_289 = arith.extui %ge3A_288 : vector<16xi1> to vector<16xi32>
      %convert_element_type3A_290 = arith.sitofp %convert_element_type3A_289 : vector<16xi32> to vector<16xf32>
      %convert_element_type3A_291 = arith.extui %and3A_287 : vector<16x4096xi1> to vector<16x4096xi32>
      %convert_element_type3A_292 = arith.sitofp %convert_element_type3A_291 : vector<16x4096xi32> to vector<16x4096xf32>
      %dot_general3A_293 = arith.constant dense<0.000000e+00> : vector<16x256xf32>
      %dot_general3A_294 = tpu.matmul %convert_element_type3A_292, %get3A_5, %dot_general3A_293 {dimension_numbers = #tpu.dot_dimension_numbers<[1], [0], [0], [1], [0, 0, 1, 1], [], []>, transpose_lhs_hint = false} : vector<16x4096xf32>, vector<4096x256xf32>, vector<16x256xf32> -> vector<16x256xf32>
      %broadcast_in_dim3A_295 = vector.shape_cast %convert_element_type3A_290 : vector<16xf32> to vector<16x1xf32>
      %mul3A_296 = vector.broadcast %broadcast_in_dim3A_295 : vector<16x1xf32> to vector<16x256xf32>
      %mul3A_297 = vector.broadcast %get3A_8 : vector<1x256xf32> to vector<16x256xf32>
      %mul3A_298 = arith.mulf %mul3A_296, %mul3A_297 : vector<16x256xf32>
      %add3A_299 = arith.addf %dot_general3A_294, %mul3A_298 : vector<16x256xf32>
      %dot_general3A_300 = arith.constant dense<0.000000e+00> : vector<16x1024xf32>
      %dot_general3A_301 = tpu.matmul %add3A_299, %get3A_148, %dot_general3A_300 {dimension_numbers = #tpu.dot_dimension_numbers<[1], [0], [0], [1], [0, 0, 1, 1], [], []>, transpose_lhs_hint = false} : vector<16x256xf32>, vector<256x1024xf32>, vector<16x1024xf32> -> vector<16x1024xf32>
      %broadcast_in_dim3A_302 = vector.shape_cast %get3A_153 : vector<1024xf32> to vector<1x1024xf32>
      %add3A_303 = vector.broadcast %broadcast_in_dim3A_302 : vector<1x1024xf32> to vector<16x1024xf32>
      %add3A_304 = arith.addf %dot_general3A_301, %add3A_303 : vector<16x1024xf32>
      %dot_general3A_305 = arith.constant dense<0.000000e+00> : vector<16x1024xf32>
      %dot_general3A_306 = tpu.matmul %while3A_274, %get3A_151, %dot_general3A_305 {dimension_numbers = #tpu.dot_dimension_numbers<[1], [0], [0], [1], [0, 0, 1, 1], [], []>, transpose_lhs_hint = false} : vector<16x256xf32>, vector<256x1024xf32>, vector<16x1024xf32> -> vector<16x1024xf32>
      %add3A_307 = arith.addf %add3A_304, %dot_general3A_306 : vector<16x1024xf32>
      %broadcast_in_dim3A_308 = vector.shape_cast %get3A_155 : vector<1024xf32> to vector<1x1024xf32>
      %add3A_309 = vector.broadcast %broadcast_in_dim3A_308 : vector<1x1024xf32> to vector<16x1024xf32>
      %add3A_310 = arith.addf %add3A_307, %add3A_309 : vector<16x1024xf32>
      %slice3A_311 = vector.extract_strided_slice %add3A_310 {offsets = [0, 0], sizes = [16, 256], strides = [1, 1]} : vector<16x1024xf32> to vector<16x256xf32>
      %logistic3A_312 = arith.negf %slice3A_311 : vector<16x256xf32>
      %logistic3A_313 = math.exp %logistic3A_312 : vector<16x256xf32>
      %logistic3A_314 = arith.constant 1.000000e+00 : f32
      %logistic3A_315 = vector.broadcast %logistic3A_314 : f32 to vector<16x256xf32>
      %logistic3A_316 = arith.addf %logistic3A_315, %logistic3A_313 : vector<16x256xf32>
      %logistic3A_317 = arith.divf %logistic3A_315, %logistic3A_316 : vector<16x256xf32>
      %slice3A_318 = vector.extract_strided_slice %add3A_310 {offsets = [0, 256], sizes = [16, 256], strides = [1, 1]} : vector<16x1024xf32> to vector<16x256xf32>
      %logistic3A_319 = arith.negf %slice3A_318 : vector<16x256xf32>
      %logistic3A_320 = math.exp %logistic3A_319 : vector<16x256xf32>
      %logistic3A_321 = arith.constant 1.000000e+00 : f32
      %logistic3A_322 = vector.broadcast %logistic3A_321 : f32 to vector<16x256xf32>
      %logistic3A_323 = arith.addf %logistic3A_322, %logistic3A_320 : vector<16x256xf32>
      %logistic3A_324 = arith.divf %logistic3A_322, %logistic3A_323 : vector<16x256xf32>
      %slice3A_325 = vector.extract_strided_slice %add3A_310 {offsets = [0, 512], sizes = [16, 256], strides = [1, 1]} : vector<16x1024xf32> to vector<16x256xf32>
      %tanh3A_326 = math.tanh %slice3A_325 : vector<16x256xf32>
      %slice3A_327 = vector.extract_strided_slice %add3A_310 {offsets = [0, 768], sizes = [16, 256], strides = [1, 1]} : vector<16x1024xf32> to vector<16x256xf32>
      %logistic3A_328 = arith.negf %slice3A_327 : vector<16x256xf32>
      %logistic3A_329 = math.exp %logistic3A_328 : vector<16x256xf32>
      %logistic3A_330 = arith.constant 1.000000e+00 : f32
      %logistic3A_331 = vector.broadcast %logistic3A_330 : f32 to vector<16x256xf32>
      %logistic3A_332 = arith.addf %logistic3A_331, %logistic3A_329 : vector<16x256xf32>
      %logistic3A_333 = arith.divf %logistic3A_331, %logistic3A_332 : vector<16x256xf32>
      %mul3A_334 = arith.mulf %logistic3A_324, %while3A_275 : vector<16x256xf32>
      %mul3A_335 = arith.mulf %logistic3A_317, %tanh3A_326 : vector<16x256xf32>
      %add3A_336 = arith.addf %mul3A_334, %mul3A_335 : vector<16x256xf32>
      %tanh3A_337 = math.tanh %add3A_336 : vector<16x256xf32>
      %mul3A_338 = arith.mulf %logistic3A_333, %tanh3A_337 : vector<16x256xf32>
      %broadcast_in_dim3A_339 = vector.shape_cast %mul3A_338 : vector<16x256xf32> to vector<1x16x256xf32>
      %swap3A_340 = arith.index_cast %sub3A_278 : i32 to index
      %swap3A_341 = arith.constant 0 : index
      %swap3A_342 = arith.constant 0 : index
      %swap3A_343 = vector.load %arg34[%swap3A_340, %swap3A_341, %swap3A_342] : memref<512x16x256xf32, #tpu.memory_space<vmem>>, vector<1x16x256xf32>
      tpu.vector_store %arg34[%swap3A_340, %swap3A_341, %swap3A_342], %broadcast_in_dim3A_339 {strides = array<i32>} : memref<512x16x256xf32, #tpu.memory_space<vmem>>, vector<1x16x256xf32>,
      scf.yield %mul3A_338, %add3A_336 : vector<16x256xf32>, vector<16x256xf32>
    }
    %get3A_168 = arith.constant 0 : index
    %get3A_169 = arith.constant 0 : index
    %get3A_170 = vector.load %arg20[%get3A_168, %get3A_169] : memref<256x1024xf32, #tpu.memory_space<vmem>>, vector<256x1024xf32>
    %get3A_171 = arith.constant 0 : index
    %get3A_172 = arith.constant 0 : index
    %get3A_173 = vector.load %arg21[%get3A_171, %get3A_172] : memref<256x1024xf32, #tpu.memory_space<vmem>>, vector<256x1024xf32>
    %get3A_174 = arith.constant 0 : index
    %get3A_175 = vector.load %arg22[%get3A_174] : memref<1024xf32, #tpu.memory_space<vmem>>, vector<1024xf32>
    %get3A_176 = arith.constant 0 : index
    %get3A_177 = vector.load %arg23[%get3A_176] : memref<1024xf32, #tpu.memory_space<vmem>>, vector<1024xf32>
    %get3A_178 = arith.constant 0 : index
    %get3A_179 = arith.constant 0 : index
    %get3A_180 = vector.load %arg18[%get3A_178, %get3A_179] : memref<512x256xf32, #tpu.memory_space<vmem>>, vector<512x256xf32>
    %get3A_181 = arith.constant 0 : index
    %get3A_182 = vector.load %arg19[%get3A_181] : memref<256xf32, #tpu.memory_space<vmem>>, vector<256xf32>
    %broadcast_in_dim3A_183 = arith.constant -1.000000e+30 : f32
    %broadcast_in_dim3A_184 = vector.broadcast %broadcast_in_dim3A_183 : f32 to vector<16x50xf32>
    %broadcast_in_dim3A_185 = arith.constant 0.000000e+00 : f32
    %broadcast_in_dim3A_186 = vector.broadcast %broadcast_in_dim3A_185 : f32 to vector<16x50xf32>
    %broadcast_in_dim3A_187 = arith.constant 0.000000e+00 : f32
    %broadcast_in_dim3A_188 = vector.broadcast %broadcast_in_dim3A_187 : f32 to vector<16x50x512xf32>
    %while3A_189 = arith.constant 0 : i32
    %while3A_190 = arith.subi %min3A_19, %while3A_189 : i32
    %while3A_191 = arith.addi %while3A_189, %while3A_190 : i32
    %while3A_192 = arith.constant 1 : i32
    %while3A_193 = arith.divsi %while3A_190, %while3A_192 : i32
    %while3A_194 = arith.muli %while3A_193, %while3A_192 : i32
    %while3A_195 = arith.addi %while3A_189, %while3A_194 : i32
    %while3A_196 = arith.constant 1 : i32
    %while3A_197:5 = scf.for %while3A_273 = %while3A_189 to %while3A_195 step %while3A_196 iter_args(%while3A_274 = %broadcast_in_dim3A_157, %while3A_275 = %broadcast_in_dim3A_157, %while3A_276 = %broadcast_in_dim3A_184, %while3A_277 = %broadcast_in_dim3A_186, %while3A_278 = %broadcast_in_dim3A_188) -> (vector<16x256xf32>, vector<16x256xf32>, vector<16x50xf32>, vector<16x50xf32>, vector<16x50x512xf32>)  : i32 {
      %broadcast_in_dim3A_279 = vector.shape_cast %convert_element_type3A_144 : vector<16xi32> to vector<16x1xi32>
      %add3A_280 = vector.broadcast %while3A_273 : i32 to vector<16x1xi32>
      %add3A_281 = arith.addi %broadcast_in_dim3A_279, %add3A_280 : vector<16x1xi32>
      %eq3A_282 = vector.broadcast %add3A_281 : vector<16x1xi32> to vector<16x4096xi32>
      %eq3A_283 = arith.cmpi eq, %iota3A_145, %eq3A_282 : vector<16x4096xi32>
      %broadcast_in_dim3A_284 = vector.shape_cast %reduce_sum3A_14 : vector<16xi32> to vector<16x1xi32>
      %lt3A_285 = vector.broadcast %while3A_273 : i32 to vector<16x1xi32>
      %lt3A_286 = arith.cmpi slt, %lt3A_285, %broadcast_in_dim3A_284 : vector<16x1xi32>
      %and3A = vector.broadcast %lt3A_286 : vector<16x1xi1> to vector<16x4096xi1>
      %and3A_287 = arith.andi %eq3A_283, %and3A : vector<16x4096xi1>
      %ge3A = vector.broadcast %while3A_273 : i32 to vector<16xi32>
      %ge3A_288 = arith.cmpi sge, %ge3A, %reduce_sum3A_14 : vector<16xi32>
      %convert_element_type3A_289 = arith.extui %ge3A_288 : vector<16xi1> to vector<16xi32>
      %convert_element_type3A_290 = arith.sitofp %convert_element_type3A_289 : vector<16xi32> to vector<16xf32>
      %convert_element_type3A_291 = arith.extui %and3A_287 : vector<16x4096xi1> to vector<16x4096xi32>
      %convert_element_type3A_292 = arith.sitofp %convert_element_type3A_291 : vector<16x4096xi32> to vector<16x4096xf32>
      %dot_general3A_293 = arith.constant dense<0.000000e+00> : vector<16x256xf32>
      %dot_general3A_294 = tpu.matmul %convert_element_type3A_292, %get3A_5, %dot_general3A_293 {dimension_numbers = #tpu.dot_dimension_numbers<[1], [0], [0], [1], [0, 0, 1, 1], [], []>, transpose_lhs_hint = false} : vector<16x4096xf32>, vector<4096x256xf32>, vector<16x256xf32> -> vector<16x256xf32>
      %broadcast_in_dim3A_295 = vector.shape_cast %convert_element_type3A_290 : vector<16xf32> to vector<16x1xf32>
      %mul3A_296 = vector.broadcast %broadcast_in_dim3A_295 : vector<16x1xf32> to vector<16x256xf32>
      %mul3A_297 = vector.broadcast %get3A_8 : vector<1x256xf32> to vector<16x256xf32>
      %mul3A_298 = arith.mulf %mul3A_296, %mul3A_297 : vector<16x256xf32>
      %add3A_299 = arith.addf %dot_general3A_294, %mul3A_298 : vector<16x256xf32>
      %dot_general3A_300 = arith.constant dense<0.000000e+00> : vector<16x1024xf32>
      %dot_general3A_301 = tpu.matmul %add3A_299, %get3A_170, %dot_general3A_300 {dimension_numbers = #tpu.dot_dimension_numbers<[1], [0], [0], [1], [0, 0, 1, 1], [], []>, transpose_lhs_hint = false} : vector<16x256xf32>, vector<256x1024xf32>, vector<16x1024xf32> -> vector<16x1024xf32>
      %broadcast_in_dim3A_302 = vector.shape_cast %get3A_175 : vector<1024xf32> to vector<1x1024xf32>
      %add3A_303 = vector.broadcast %broadcast_in_dim3A_302 : vector<1x1024xf32> to vector<16x1024xf32>
      %add3A_304 = arith.addf %dot_general3A_301, %add3A_303 : vector<16x1024xf32>
      %dot_general3A_305 = arith.constant dense<0.000000e+00> : vector<16x1024xf32>
      %dot_general3A_306 = tpu.matmul %while3A_274, %get3A_173, %dot_general3A_305 {dimension_numbers = #tpu.dot_dimension_numbers<[1], [0], [0], [1], [0, 0, 1, 1], [], []>, transpose_lhs_hint = false} : vector<16x256xf32>, vector<256x1024xf32>, vector<16x1024xf32> -> vector<16x1024xf32>
      %add3A_307 = arith.addf %add3A_304, %dot_general3A_306 : vector<16x1024xf32>
      %broadcast_in_dim3A_308 = vector.shape_cast %get3A_177 : vector<1024xf32> to vector<1x1024xf32>
      %add3A_309 = vector.broadcast %broadcast_in_dim3A_308 : vector<1x1024xf32> to vector<16x1024xf32>
      %add3A_310 = arith.addf %add3A_307, %add3A_309 : vector<16x1024xf32>
      %slice3A_311 = vector.extract_strided_slice %add3A_310 {offsets = [0, 0], sizes = [16, 256], strides = [1, 1]} : vector<16x1024xf32> to vector<16x256xf32>
      %logistic3A_312 = arith.negf %slice3A_311 : vector<16x256xf32>
      %logistic3A_313 = math.exp %logistic3A_312 : vector<16x256xf32>
      %logistic3A_314 = arith.constant 1.000000e+00 : f32
      %logistic3A_315 = vector.broadcast %logistic3A_314 : f32 to vector<16x256xf32>
      %logistic3A_316 = arith.addf %logistic3A_315, %logistic3A_313 : vector<16x256xf32>
      %logistic3A_317 = arith.divf %logistic3A_315, %logistic3A_316 : vector<16x256xf32>
      %slice3A_318 = vector.extract_strided_slice %add3A_310 {offsets = [0, 256], sizes = [16, 256], strides = [1, 1]} : vector<16x1024xf32> to vector<16x256xf32>
      %logistic3A_319 = arith.negf %slice3A_318 : vector<16x256xf32>
      %logistic3A_320 = math.exp %logistic3A_319 : vector<16x256xf32>
      %logistic3A_321 = arith.constant 1.000000e+00 : f32
      %logistic3A_322 = vector.broadcast %logistic3A_321 : f32 to vector<16x256xf32>
      %logistic3A_323 = arith.addf %logistic3A_322, %logistic3A_320 : vector<16x256xf32>
      %logistic3A_324 = arith.divf %logistic3A_322, %logistic3A_323 : vector<16x256xf32>
      %slice3A_325 = vector.extract_strided_slice %add3A_310 {offsets = [0, 512], sizes = [16, 256], strides = [1, 1]} : vector<16x1024xf32> to vector<16x256xf32>
      %tanh3A_326 = math.tanh %slice3A_325 : vector<16x256xf32>
      %slice3A_327 = vector.extract_strided_slice %add3A_310 {offsets = [0, 768], sizes = [16, 256], strides = [1, 1]} : vector<16x1024xf32> to vector<16x256xf32>
      %logistic3A_328 = arith.negf %slice3A_327 : vector<16x256xf32>
      %logistic3A_329 = math.exp %logistic3A_328 : vector<16x256xf32>
      %logistic3A_330 = arith.constant 1.000000e+00 : f32
      %logistic3A_331 = vector.broadcast %logistic3A_330 : f32 to vector<16x256xf32>
      %logistic3A_332 = arith.addf %logistic3A_331, %logistic3A_329 : vector<16x256xf32>
      %logistic3A_333 = arith.divf %logistic3A_331, %logistic3A_332 : vector<16x256xf32>
      %mul3A_334 = arith.mulf %logistic3A_324, %while3A_275 : vector<16x256xf32>
      %mul3A_335 = arith.mulf %logistic3A_317, %tanh3A_326 : vector<16x256xf32>
      %add3A_336 = arith.addf %mul3A_334, %mul3A_335 : vector<16x256xf32>
      %tanh3A_337 = math.tanh %add3A_336 : vector<16x256xf32>
      %mul3A_338 = arith.mulf %logistic3A_333, %tanh3A_337 : vector<16x256xf32>
      %get3A_339 = arith.index_cast %while3A_273 : i32 to index
      %get3A_340 = arith.constant 0 : index
      %get3A_341 = arith.constant 0 : index
      %get3A_342 = vector.load %arg34[%get3A_339, %get3A_340, %get3A_341] : memref<512x16x256xf32, #tpu.memory_space<vmem>>, vector<1x16x256xf32>
      %squeeze3A_343 = vector.shape_cast %get3A_342 : vector<1x16x256xf32> to vector<16x256xf32>
      %concatenate3A = tpu.concatenate %mul3A_338, %squeeze3A_343 in 1 : vector<16x256xf32>, vector<16x256xf32> -> vector<16x512xf32>
      %dot_general3A_344 = arith.constant dense<0.000000e+00> : vector<16x256xf32>
      %dot_general3A_345 = tpu.matmul %concatenate3A, %get3A_180, %dot_general3A_344 {dimension_numbers = #tpu.dot_dimension_numbers<[1], [0], [0], [1], [0, 0, 1, 1], [], []>, transpose_lhs_hint = false} : vector<16x512xf32>, vector<512x256xf32>, vector<16x256xf32> -> vector<16x256xf32>
      %broadcast_in_dim3A_346 = vector.shape_cast %get3A_182 : vector<256xf32> to vector<1x256xf32>
      %add3A_347 = vector.broadcast %broadcast_in_dim3A_346 : vector<1x256xf32> to vector<16x256xf32>
      %add3A_348 = arith.addf %dot_general3A_345, %add3A_347 : vector<16x256xf32>
      %tanh3A_349 = math.tanh %add3A_348 : vector<16x256xf32>
      %dot_general3A_350 = arith.constant dense<0.000000e+00> : vector<16x50xf32>
      %dot_general3A_351 = tpu.matmul %tanh3A_349, %get3A_90, %dot_general3A_350 {dimension_numbers = #tpu.dot_dimension_numbers<[1], [0], [0], [1], [0, 0, 1, 1], [], []>, transpose_lhs_hint = false} : vector<16x256xf32>, vector<256x50xf32>, vector<16x50xf32> -> vector<16x50xf32>
      %max3A_352 = arith.maximumf %while3A_276, %dot_general3A_351 : vector<16x50xf32>
      %sub3A_353 = arith.subf %while3A_276, %max3A_352 : vector<16x50xf32>
      %exp3A_354 = math.exp %sub3A_353 : vector<16x50xf32>
      %sub3A_355 = arith.subf %dot_general3A_351, %max3A_352 : vector<16x50xf32>
      %exp3A_356 = math.exp %sub3A_355 : vector<16x50xf32>
      %mul3A_357 = arith.mulf %while3A_277, %exp3A_354 : vector<16x50xf32>
      %add3A_358 = arith.addf %mul3A_357, %exp3A_356 : vector<16x50xf32>
      %broadcast_in_dim3A_359 = vector.shape_cast %exp3A_354 : vector<16x50xf32> to vector<16x50x1xf32>
      %mul3A_360 = vector.broadcast %broadcast_in_dim3A_359 : vector<16x50x1xf32> to vector<16x50x512xf32>
      %mul3A_361 = arith.mulf %while3A_278, %mul3A_360 : vector<16x50x512xf32>
      %broadcast_in_dim3A_362 = vector.shape_cast %exp3A_356 : vector<16x50xf32> to vector<16x50x1xf32>
      %broadcast_in_dim3A_363 = vector.shape_cast %concatenate3A : vector<16x512xf32> to vector<16x1x512xf32>
      %mul3A_364 = vector.broadcast %broadcast_in_dim3A_362 : vector<16x50x1xf32> to vector<16x50x512xf32>
      %mul3A_365 = vector.broadcast %broadcast_in_dim3A_363 : vector<16x1x512xf32> to vector<16x50x512xf32>
      %mul3A_366 = arith.mulf %mul3A_364, %mul3A_365 : vector<16x50x512xf32>
      %add3A_367 = arith.addf %mul3A_361, %mul3A_366 : vector<16x50x512xf32>
      scf.yield %mul3A_338, %add3A_336, %max3A_352, %add3A_358, %add3A_367 : vector<16x256xf32>, vector<16x256xf32>, vector<16x50xf32>, vector<16x50xf32>, vector<16x50x512xf32>
    }
    %while3A_198 = arith.constant 1 : i32
    %while3A_199:5 = scf.for %while3A_273 = %while3A_195 to %while3A_191 step %while3A_198 iter_args(%while3A_274 = %while3A_197#0, %while3A_275 = %while3A_197#1, %while3A_276 = %while3A_197#2, %while3A_277 = %while3A_197#3, %while3A_278 = %while3A_197#4) -> (vector<16x256xf32>, vector<16x256xf32>, vector<16x50xf32>, vector<16x50xf32>, vector<16x50x512xf32>)  : i32 {
      %broadcast_in_dim3A_279 = vector.shape_cast %convert_element_type3A_144 : vector<16xi32> to vector<16x1xi32>
      %add3A_280 = vector.broadcast %while3A_273 : i32 to vector<16x1xi32>
      %add3A_281 = arith.addi %broadcast_in_dim3A_279, %add3A_280 : vector<16x1xi32>
      %eq3A_282 = vector.broadcast %add3A_281 : vector<16x1xi32> to vector<16x4096xi32>
      %eq3A_283 = arith.cmpi eq, %iota3A_145, %eq3A_282 : vector<16x4096xi32>
      %broadcast_in_dim3A_284 = vector.shape_cast %reduce_sum3A_14 : vector<16xi32> to vector<16x1xi32>
      %lt3A_285 = vector.broadcast %while3A_273 : i32 to vector<16x1xi32>
      %lt3A_286 = arith.cmpi slt, %lt3A_285, %broadcast_in_dim3A_284 : vector<16x1xi32>
      %and3A = vector.broadcast %lt3A_286 : vector<16x1xi1> to vector<16x4096xi1>
      %and3A_287 = arith.andi %eq3A_283, %and3A : vector<16x4096xi1>
      %ge3A = vector.broadcast %while3A_273 : i32 to vector<16xi32>
      %ge3A_288 = arith.cmpi sge, %ge3A, %reduce_sum3A_14 : vector<16xi32>
      %convert_element_type3A_289 = arith.extui %ge3A_288 : vector<16xi1> to vector<16xi32>
      %convert_element_type3A_290 = arith.sitofp %convert_element_type3A_289 : vector<16xi32> to vector<16xf32>
      %convert_element_type3A_291 = arith.extui %and3A_287 : vector<16x4096xi1> to vector<16x4096xi32>
      %convert_element_type3A_292 = arith.sitofp %convert_element_type3A_291 : vector<16x4096xi32> to vector<16x4096xf32>
      %dot_general3A_293 = arith.constant dense<0.000000e+00> : vector<16x256xf32>
      %dot_general3A_294 = tpu.matmul %convert_element_type3A_292, %get3A_5, %dot_general3A_293 {dimension_numbers = #tpu.dot_dimension_numbers<[1], [0], [0], [1], [0, 0, 1, 1], [], []>, transpose_lhs_hint = false} : vector<16x4096xf32>, vector<4096x256xf32>, vector<16x256xf32> -> vector<16x256xf32>
      %broadcast_in_dim3A_295 = vector.shape_cast %convert_element_type3A_290 : vector<16xf32> to vector<16x1xf32>
      %mul3A_296 = vector.broadcast %broadcast_in_dim3A_295 : vector<16x1xf32> to vector<16x256xf32>
      %mul3A_297 = vector.broadcast %get3A_8 : vector<1x256xf32> to vector<16x256xf32>
      %mul3A_298 = arith.mulf %mul3A_296, %mul3A_297 : vector<16x256xf32>
      %add3A_299 = arith.addf %dot_general3A_294, %mul3A_298 : vector<16x256xf32>
      %dot_general3A_300 = arith.constant dense<0.000000e+00> : vector<16x1024xf32>
      %dot_general3A_301 = tpu.matmul %add3A_299, %get3A_170, %dot_general3A_300 {dimension_numbers = #tpu.dot_dimension_numbers<[1], [0], [0], [1], [0, 0, 1, 1], [], []>, transpose_lhs_hint = false} : vector<16x256xf32>, vector<256x1024xf32>, vector<16x1024xf32> -> vector<16x1024xf32>
      %broadcast_in_dim3A_302 = vector.shape_cast %get3A_175 : vector<1024xf32> to vector<1x1024xf32>
      %add3A_303 = vector.broadcast %broadcast_in_dim3A_302 : vector<1x1024xf32> to vector<16x1024xf32>
      %add3A_304 = arith.addf %dot_general3A_301, %add3A_303 : vector<16x1024xf32>
      %dot_general3A_305 = arith.constant dense<0.000000e+00> : vector<16x1024xf32>
      %dot_general3A_306 = tpu.matmul %while3A_274, %get3A_173, %dot_general3A_305 {dimension_numbers = #tpu.dot_dimension_numbers<[1], [0], [0], [1], [0, 0, 1, 1], [], []>, transpose_lhs_hint = false} : vector<16x256xf32>, vector<256x1024xf32>, vector<16x1024xf32> -> vector<16x1024xf32>
      %add3A_307 = arith.addf %add3A_304, %dot_general3A_306 : vector<16x1024xf32>
      %broadcast_in_dim3A_308 = vector.shape_cast %get3A_177 : vector<1024xf32> to vector<1x1024xf32>
      %add3A_309 = vector.broadcast %broadcast_in_dim3A_308 : vector<1x1024xf32> to vector<16x1024xf32>
      %add3A_310 = arith.addf %add3A_307, %add3A_309 : vector<16x1024xf32>
      %slice3A_311 = vector.extract_strided_slice %add3A_310 {offsets = [0, 0], sizes = [16, 256], strides = [1, 1]} : vector<16x1024xf32> to vector<16x256xf32>
      %logistic3A_312 = arith.negf %slice3A_311 : vector<16x256xf32>
      %logistic3A_313 = math.exp %logistic3A_312 : vector<16x256xf32>
      %logistic3A_314 = arith.constant 1.000000e+00 : f32
      %logistic3A_315 = vector.broadcast %logistic3A_314 : f32 to vector<16x256xf32>
      %logistic3A_316 = arith.addf %logistic3A_315, %logistic3A_313 : vector<16x256xf32>
      %logistic3A_317 = arith.divf %logistic3A_315, %logistic3A_316 : vector<16x256xf32>
      %slice3A_318 = vector.extract_strided_slice %add3A_310 {offsets = [0, 256], sizes = [16, 256], strides = [1, 1]} : vector<16x1024xf32> to vector<16x256xf32>
      %logistic3A_319 = arith.negf %slice3A_318 : vector<16x256xf32>
      %logistic3A_320 = math.exp %logistic3A_319 : vector<16x256xf32>
      %logistic3A_321 = arith.constant 1.000000e+00 : f32
      %logistic3A_322 = vector.broadcast %logistic3A_321 : f32 to vector<16x256xf32>
      %logistic3A_323 = arith.addf %logistic3A_322, %logistic3A_320 : vector<16x256xf32>
      %logistic3A_324 = arith.divf %logistic3A_322, %logistic3A_323 : vector<16x256xf32>
      %slice3A_325 = vector.extract_strided_slice %add3A_310 {offsets = [0, 512], sizes = [16, 256], strides = [1, 1]} : vector<16x1024xf32> to vector<16x256xf32>
      %tanh3A_326 = math.tanh %slice3A_325 : vector<16x256xf32>
      %slice3A_327 = vector.extract_strided_slice %add3A_310 {offsets = [0, 768], sizes = [16, 256], strides = [1, 1]} : vector<16x1024xf32> to vector<16x256xf32>
      %logistic3A_328 = arith.negf %slice3A_327 : vector<16x256xf32>
      %logistic3A_329 = math.exp %logistic3A_328 : vector<16x256xf32>
      %logistic3A_330 = arith.constant 1.000000e+00 : f32
      %logistic3A_331 = vector.broadcast %logistic3A_330 : f32 to vector<16x256xf32>
      %logistic3A_332 = arith.addf %logistic3A_331, %logistic3A_329 : vector<16x256xf32>
      %logistic3A_333 = arith.divf %logistic3A_331, %logistic3A_332 : vector<16x256xf32>
      %mul3A_334 = arith.mulf %logistic3A_324, %while3A_275 : vector<16x256xf32>
      %mul3A_335 = arith.mulf %logistic3A_317, %tanh3A_326 : vector<16x256xf32>
      %add3A_336 = arith.addf %mul3A_334, %mul3A_335 : vector<16x256xf32>
      %tanh3A_337 = math.tanh %add3A_336 : vector<16x256xf32>
      %mul3A_338 = arith.mulf %logistic3A_333, %tanh3A_337 : vector<16x256xf32>
      %get3A_339 = arith.index_cast %while3A_273 : i32 to index
      %get3A_340 = arith.constant 0 : index
      %get3A_341 = arith.constant 0 : index
      %get3A_342 = vector.load %arg34[%get3A_339, %get3A_340, %get3A_341] : memref<512x16x256xf32, #tpu.memory_space<vmem>>, vector<1x16x256xf32>
      %squeeze3A_343 = vector.shape_cast %get3A_342 : vector<1x16x256xf32> to vector<16x256xf32>
      %concatenate3A = tpu.concatenate %mul3A_338, %squeeze3A_343 in 1 : vector<16x256xf32>, vector<16x256xf32> -> vector<16x512xf32>
      %dot_general3A_344 = arith.constant dense<0.000000e+00> : vector<16x256xf32>
      %dot_general3A_345 = tpu.matmul %concatenate3A, %get3A_180, %dot_general3A_344 {dimension_numbers = #tpu.dot_dimension_numbers<[1], [0], [0], [1], [0, 0, 1, 1], [], []>, transpose_lhs_hint = false} : vector<16x512xf32>, vector<512x256xf32>, vector<16x256xf32> -> vector<16x256xf32>
      %broadcast_in_dim3A_346 = vector.shape_cast %get3A_182 : vector<256xf32> to vector<1x256xf32>
      %add3A_347 = vector.broadcast %broadcast_in_dim3A_346 : vector<1x256xf32> to vector<16x256xf32>
      %add3A_348 = arith.addf %dot_general3A_345, %add3A_347 : vector<16x256xf32>
      %tanh3A_349 = math.tanh %add3A_348 : vector<16x256xf32>
      %dot_general3A_350 = arith.constant dense<0.000000e+00> : vector<16x50xf32>
      %dot_general3A_351 = tpu.matmul %tanh3A_349, %get3A_90, %dot_general3A_350 {dimension_numbers = #tpu.dot_dimension_numbers<[1], [0], [0], [1], [0, 0, 1, 1], [], []>, transpose_lhs_hint = false} : vector<16x256xf32>, vector<256x50xf32>, vector<16x50xf32> -> vector<16x50xf32>
      %max3A_352 = arith.maximumf %while3A_276, %dot_general3A_351 : vector<16x50xf32>
      %sub3A_353 = arith.subf %while3A_276, %max3A_352 : vector<16x50xf32>
      %exp3A_354 = math.exp %sub3A_353 : vector<16x50xf32>
      %sub3A_355 = arith.subf %dot_general3A_351, %max3A_352 : vector<16x50xf32>
      %exp3A_356 = math.exp %sub3A_355 : vector<16x50xf32>
      %mul3A_357 = arith.mulf %while3A_277, %exp3A_354 : vector<16x50xf32>
      %add3A_358 = arith.addf %mul3A_357, %exp3A_356 : vector<16x50xf32>
      %broadcast_in_dim3A_359 = vector.shape_cast %exp3A_354 : vector<16x50xf32> to vector<16x50x1xf32>
      %mul3A_360 = vector.broadcast %broadcast_in_dim3A_359 : vector<16x50x1xf32> to vector<16x50x512xf32>
      %mul3A_361 = arith.mulf %while3A_278, %mul3A_360 : vector<16x50x512xf32>
      %broadcast_in_dim3A_362 = vector.shape_cast %exp3A_356 : vector<16x50xf32> to vector<16x50x1xf32>
      %broadcast_in_dim3A_363 = vector.shape_cast %concatenate3A : vector<16x512xf32> to vector<16x1x512xf32>
      %mul3A_364 = vector.broadcast %broadcast_in_dim3A_362 : vector<16x50x1xf32> to vector<16x50x512xf32>
      %mul3A_365 = vector.broadcast %broadcast_in_dim3A_363 : vector<16x1x512xf32> to vector<16x50x512xf32>
      %mul3A_366 = arith.mulf %mul3A_364, %mul3A_365 : vector<16x50x512xf32>
      %add3A_367 = arith.addf %mul3A_361, %mul3A_366 : vector<16x50x512xf32>
      scf.yield %mul3A_338, %add3A_336, %max3A_352, %add3A_358, %add3A_367 : vector<16x256xf32>, vector<16x256xf32>, vector<16x50xf32>, vector<16x50xf32>, vector<16x50x512xf32>
    }
    %div3A_200 = arith.divf %div3A_76, %while3A_199#3 : vector<16x50xf32>
    %broadcast_in_dim3A_201 = vector.shape_cast %div3A_200 : vector<16x50xf32> to vector<16x50x1xf32>
    %mul3A_202 = vector.broadcast %broadcast_in_dim3A_201 : vector<16x50x1xf32> to vector<16x50x512xf32>
    %mul3A_203 = arith.mulf %mul3A_202, %while3A_199#4 : vector<16x50x512xf32>
    %reduce_sum3A_204 = arith.constant dense<0.000000e+00> : vector<16x512xf32>
    %reduce_sum3A_205 = vector.multi_reduction <add>, %mul3A_203, %reduce_sum3A_204 [1] : vector<16x50x512xf32> to vector<16x512xf32>
    %get3A_206 = arith.constant 0 : index
    %get3A_207 = arith.constant 0 : index
    %get3A_208 = vector.load %arg28[%get3A_206, %get3A_207] : memref<512x128xf32, #tpu.memory_space<vmem>>, vector<512x128xf32>
    %dot_general3A_209 = arith.constant dense<0.000000e+00> : vector<16x128xf32>
    %dot_general3A_210 = tpu.matmul %reduce_sum3A_205, %get3A_208, %dot_general3A_209 {dimension_numbers = #tpu.dot_dimension_numbers<[1], [0], [0], [1], [0, 0, 1, 1], [], []>, transpose_lhs_hint = false} : vector<16x512xf32>, vector<512x128xf32>, vector<16x128xf32> -> vector<16x128xf32>
    %get3A_211 = arith.constant 0 : index
    %get3A_212 = vector.load %arg29[%get3A_211] : memref<128xf32, #tpu.memory_space<vmem>>, vector<128xf32>
    %broadcast_in_dim3A_213 = vector.shape_cast %get3A_212 : vector<128xf32> to vector<1x128xf32>
    %add3A_214 = vector.broadcast %broadcast_in_dim3A_213 : vector<1x128xf32> to vector<16x128xf32>
    %add3A_215 = arith.addf %dot_general3A_210, %add3A_214 : vector<16x128xf32>
    %logistic3A = arith.negf %add3A_215 : vector<16x128xf32>
    %logistic3A_216 = math.exp %logistic3A : vector<16x128xf32>
    %logistic3A_217 = arith.constant 1.000000e+00 : f32
    %logistic3A_218 = vector.broadcast %logistic3A_217 : f32 to vector<16x128xf32>
    %logistic3A_219 = arith.addf %logistic3A_218, %logistic3A_216 : vector<16x128xf32>
    %logistic3A_220 = arith.divf %logistic3A_218, %logistic3A_219 : vector<16x128xf32>
    %get3A_221 = arith.constant 0 : index
    %get3A_222 = vector.load %arg30[%get3A_221] : memref<256xi32, #tpu.memory_space<vmem>>, vector<256xi32>
    %get3A_223 = arith.constant 0 : index
    %get3A_224 = vector.load %arg31[%get3A_223] : memref<256xi32, #tpu.memory_space<vmem>>, vector<256xi32>
    %iota3A_225 = tpu.iota {dimensions = array<i32: 0>} : vector<16x256xi32>
    %broadcast_in_dim3A_226 = vector.shape_cast %get3A_224 : vector<256xi32> to vector<1x256xi32>
    %eq3A_227 = vector.broadcast %broadcast_in_dim3A_226 : vector<1x256xi32> to vector<16x256xi32>
    %eq3A_228 = arith.cmpi eq, %iota3A_225, %eq3A_227 : vector<16x256xi32>
    %convert_element_type3A_229 = arith.extui %eq3A_228 : vector<16x256xi1> to vector<16x256xi32>
    %convert_element_type3A_230 = arith.sitofp %convert_element_type3A_229 : vector<16x256xi32> to vector<16x256xf32>
    %broadcast_in_dim3A_231 = vector.shape_cast %get3A_222 : vector<256xi32> to vector<256x1xi32>
    %iota3A_232 = tpu.iota {dimensions = array<i32: 1>} : vector<256x128xi32>
    %eq3A_233 = vector.broadcast %broadcast_in_dim3A_231 : vector<256x1xi32> to vector<256x128xi32>
    %eq3A_234 = arith.cmpi eq, %eq3A_233, %iota3A_232 : vector<256x128xi32>
    %convert_element_type3A_235 = arith.extui %eq3A_234 : vector<256x128xi1> to vector<256x128xi32>
    %convert_element_type3A_236 = arith.sitofp %convert_element_type3A_235 : vector<256x128xi32> to vector<256x128xf32>
    %dot_general3A_237 = arith.constant dense<0.000000e+00> : vector<16x128xf32>
    %dot_general3A_238 = tpu.matmul %convert_element_type3A_230, %convert_element_type3A_236, %dot_general3A_237 {dimension_numbers = #tpu.dot_dimension_numbers<[1], [0], [0], [1], [0, 0, 1, 1], [], []>, transpose_lhs_hint = false} : vector<16x256xf32>, vector<256x128xf32>, vector<16x128xf32> -> vector<16x128xf32>
    %min3A_239 = arith.constant 1.000000e+00 : f32
    %min3A_240 = vector.broadcast %min3A_239 : f32 to vector<16x128xf32>
    %min3A_241 = arith.minimumf %dot_general3A_238, %min3A_240 : vector<16x128xf32>
    %jit3A_242 = arith.constant 1.000000e-07 : f32
    %jit3A_243 = arith.constant 0.99999988 : f32
    %max3A = vector.broadcast %jit3A_242 : f32 to vector<16x128xf32>
    %max3A_244 = arith.maximumf %max3A, %logistic3A_220 : vector<16x128xf32>
    %min3A_245 = vector.broadcast %jit3A_243 : f32 to vector<16x128xf32>
    %min3A_246 = arith.minimumf %min3A_245, %max3A_244 : vector<16x128xf32>
    %log3A_247 = math.log %min3A_246 : vector<16x128xf32>
    %mul3A_248 = arith.mulf %min3A_241, %log3A_247 : vector<16x128xf32>
    %sub3A_249 = arith.constant 1.000000e+00 : f32
    %sub3A_250 = vector.broadcast %sub3A_249 : f32 to vector<16x128xf32>
    %sub3A_251 = arith.subf %sub3A_250, %min3A_241 : vector<16x128xf32>
    %sub3A_252 = arith.constant 1.000000e+00 : f32
    %sub3A_253 = vector.broadcast %sub3A_252 : f32 to vector<16x128xf32>
    %sub3A_254 = arith.subf %sub3A_253, %min3A_246 : vector<16x128xf32>
    %log3A_255 = math.log %sub3A_254 : vector<16x128xf32>
    %mul3A_256 = arith.mulf %sub3A_251, %log3A_255 : vector<16x128xf32>
    %add3A_257 = arith.addf %mul3A_248, %mul3A_256 : vector<16x128xf32>
    %reduce_sum3A_258 = vector.shape_cast %add3A_257 : vector<16x128xf32> to vector<1x16x128xf32>
    %reduce_sum3A_259 = arith.constant dense<0.000000e+00> : vector<1xf32>
    %reduce_sum3A_260 = vector.multi_reduction <add>, %reduce_sum3A_258, %reduce_sum3A_259 [1, 2] : vector<1x16x128xf32> to vector<1xf32>
    %reduce_sum3A_261 = vector.shape_cast %reduce_sum3A_260 : vector<1xf32> to vector<1x1x1xf32>
    %reduce_sum3A_262 = vector.extract %reduce_sum3A_261[0, 0, 0] : f32 from vector<1x1x1xf32>
    %div3A_263 = arith.constant 2.048000e+03 : f32
    %div3A_264 = arith.divf %reduce_sum3A_262, %div3A_263 : f32
    %neg3A_265 = arith.constant 0.000000e+00 : f32
    %neg3A_266 = arith.subf %neg3A_265, %div3A_264 : f32
    %swap3A = arith.constant 0 : index
    %swap3A_267 = arith.constant 0 : index
    %swap3A_268 = vector.load %arg32[%swap3A, %swap3A_267] : memref<16x128xf32, #tpu.memory_space<vmem>>, vector<16x128xf32>
    tpu.vector_store %arg32[%swap3A, %swap3A_267], %logistic3A_220 {strides = array<i32>} : memref<16x128xf32, #tpu.memory_space<vmem>>, vector<16x128xf32>,
    %add3A_269 = arith.addf %neg3A_266, %div3A_134 : f32
    %reshape3A = vector.broadcast %add3A_269 : f32 to vector<1x1xf32>
    %swap3A_270 = arith.constant 0 : index
    %swap3A_271 = arith.constant 0 : index
    %swap3A_272 = vector.load %arg33[%swap3A_270, %swap3A_271] : memref<1x1xf32, #tpu.memory_space<vmem>>, vector<1x1xf32>
    tpu.vector_store %arg33[%swap3A_270, %swap3A_271], %reshape3A {strides = array<i32>} : memref<1x1xf32, #tpu.memory_space<vmem>>, vector<1x1xf32>,
    return
  }
}

module attributes {stable_mosaic.version = 14 : i64} {
  func.func @_z_body(%arg0: i32, %arg1: memref<64x256xf32, #tpu.memory_space<vmem>>, %arg2: memref<6016x256xf32, #tpu.memory_space<vmem>>, %arg3: memref<64xf32, #tpu.memory_space<vmem>>, %arg4: memref<64xf32, #tpu.memory_space<vmem>>) attributes {dimension_semantics = [#tpu.dimension_semantics<arbitrary>], iteration_bounds = array<i64: 5>, scalar_prefetch = 0 : i64, scratch_operands = 0 : i64, tpu.core_type = #tpu.core_type<tc>, window_params = [{pipeline_mode = #tpu.pipeline_mode<synchronous>, transform_indices = @transform_0, window_bounds = array<i64: 64, 256>}, {transform_indices = @transform_1, window_bounds = array<i64: 6016, 256>}, {pipeline_mode = #tpu.pipeline_mode<synchronous>, transform_indices = @transform_2, window_bounds = array<i64: 64>}, {pipeline_mode = #tpu.pipeline_mode<synchronous>, transform_indices = @transform_3, window_bounds = array<i64: 64>}]} {
    %eq3A = arith.constant 0 : i32
    %eq3A_0 = arith.cmpi eq, %arg0, %eq3A : i32
    %convert_element_type3A = arith.extui %eq3A_0 : i1 to i32
    %cond3A = arith.constant 0 : i32
    %cond3A_1 = arith.cmpi ne, %convert_element_type3A, %cond3A : i32
    scf.if %cond3A_1 {
      %broadcast_in_dim3A_27 = arith.constant -1.000000e+30 : f32
      %broadcast_in_dim3A_28 = vector.broadcast %broadcast_in_dim3A_27 : f32 to vector<64xf32>
      %swap3A_29 = arith.constant 0 : index
      %swap3A_30 = vector.load %arg3[%swap3A_29] : memref<64xf32, #tpu.memory_space<vmem>>, vector<64xf32>
      tpu.vector_store %arg3[%swap3A_29], %broadcast_in_dim3A_28 {strides = array<i32>} : memref<64xf32, #tpu.memory_space<vmem>>, vector<64xf32>,
      %broadcast_in_dim3A_31 = arith.constant 0.000000e+00 : f32
      %broadcast_in_dim3A_32 = vector.broadcast %broadcast_in_dim3A_31 : f32 to vector<64xf32>
      %swap3A_33 = arith.constant 0 : index
      %swap3A_34 = vector.load %arg4[%swap3A_33] : memref<64xf32, #tpu.memory_space<vmem>>, vector<64xf32>
      tpu.vector_store %arg4[%swap3A_33], %broadcast_in_dim3A_32 {strides = array<i32>} : memref<64xf32, #tpu.memory_space<vmem>>, vector<64xf32>,
    } else {
    }
    %get3A = arith.constant 0 : index
    %get3A_2 = arith.constant 0 : index
    %get3A_3 = vector.load %arg1[%get3A, %get3A_2] : memref<64x256xf32, #tpu.memory_space<vmem>>, vector<64x256xf32>
    %get3A_4 = arith.constant 0 : index
    %get3A_5 = arith.constant 0 : index
    %get3A_6 = vector.load %arg2[%get3A_4, %get3A_5] : memref<6016x256xf32, #tpu.memory_space<vmem>>, vector<6016x256xf32>
    %dot_general3A = arith.constant dense<0.000000e+00> : vector<64x6016xf32>
    %dot_general3A_7 = tpu.matmul %get3A_3, %get3A_6, %dot_general3A {dimension_numbers = #tpu.dot_dimension_numbers<[1], [1], [0], [0], [0, 0, 1, 0], [], []>, transpose_lhs_hint = false} : vector<64x256xf32>, vector<6016x256xf32>, vector<64x6016xf32> -> vector<64x6016xf32>
    %iota3A = tpu.iota {dimensions = array<i32: 1>} : vector<64x6016xi32>
    %mul3A = arith.constant 6016 : i32
    %mul3A_8 = arith.muli %arg0, %mul3A : i32
    %add3A = vector.broadcast %mul3A_8 : i32 to vector<64x6016xi32>
    %add3A_9 = arith.addi %iota3A, %add3A : vector<64x6016xi32>
    %lt3A = arith.constant 30000 : i32
    %lt3A_10 = vector.broadcast %lt3A : i32 to vector<64x6016xi32>
    %lt3A_11 = arith.cmpi slt, %add3A_9, %lt3A_10 : vector<64x6016xi32>
    %jit3A = arith.constant -1.000000e+30 : f32
    %broadcast_in_dim3A = vector.broadcast %jit3A : f32 to vector<64x6016xf32>
    %select_n3A = arith.select %lt3A_11, %dot_general3A_7, %broadcast_in_dim3A : vector<64x6016xi1>, vector<64x6016xf32>
    %get3A_12 = arith.constant 0 : index
    %get3A_13 = vector.load %arg3[%get3A_12] : memref<64xf32, #tpu.memory_space<vmem>>, vector<64xf32>
    %reduce_max3A = arith.constant dense<0xFF800000> : vector<64xf32>
    %reduce_max3A_14 = vector.multi_reduction <maximumf>, %select_n3A, %reduce_max3A [1] : vector<64x6016xf32> to vector<64xf32>
    %max3A = arith.maximumf %get3A_13, %reduce_max3A_14 : vector<64xf32>
    %get3A_15 = arith.constant 0 : index
    %get3A_16 = vector.load %arg4[%get3A_15] : memref<64xf32, #tpu.memory_space<vmem>>, vector<64xf32>
    %sub3A = arith.subf %get3A_13, %max3A : vector<64xf32>
    %exp3A = math.exp %sub3A : vector<64xf32>
    %mul3A_17 = arith.mulf %get3A_16, %exp3A : vector<64xf32>
    %broadcast_in_dim3A_18 = vector.shape_cast %max3A : vector<64xf32> to vector<64x1xf32>
    %sub3A_19 = vector.broadcast %broadcast_in_dim3A_18 : vector<64x1xf32> to vector<64x6016xf32>
    %sub3A_20 = arith.subf %select_n3A, %sub3A_19 : vector<64x6016xf32>
    %exp3A_21 = math.exp %sub3A_20 : vector<64x6016xf32>
    %reduce_sum3A = arith.constant dense<0.000000e+00> : vector<64xf32>
    %reduce_sum3A_22 = vector.multi_reduction <add>, %exp3A_21, %reduce_sum3A [1] : vector<64x6016xf32> to vector<64xf32>
    %add3A_23 = arith.addf %mul3A_17, %reduce_sum3A_22 : vector<64xf32>
    %swap3A = arith.constant 0 : index
    %swap3A_24 = vector.load %arg4[%swap3A] : memref<64xf32, #tpu.memory_space<vmem>>, vector<64xf32>
    tpu.vector_store %arg4[%swap3A], %add3A_23 {strides = array<i32>} : memref<64xf32, #tpu.memory_space<vmem>>, vector<64xf32>,
    %swap3A_25 = arith.constant 0 : index
    %swap3A_26 = vector.load %arg3[%swap3A_25] : memref<64xf32, #tpu.memory_space<vmem>>, vector<64xf32>
    tpu.vector_store %arg3[%swap3A_25], %max3A {strides = array<i32>} : memref<64xf32, #tpu.memory_space<vmem>>, vector<64xf32>,
    return
  }
  func.func @transform_0(%arg0: i32) -> (i32, i32) {
    %c0_i32 = arith.constant 0 : i32
    %c0_i32_0 = arith.constant 0 : i32
    %c0_i32_1 = arith.constant 0 : i32
    return %c0_i32, %c0_i32_0 : i32, i32
  }
  func.func @transform_1(%arg0: i32) -> (i32, i32) {
    %c0_i32 = arith.constant 0 : i32
    %c0_i32_0 = arith.constant 0 : i32
    return %arg0, %c0_i32 : i32, i32
  }
  func.func @transform_2(%arg0: i32) -> i32 {
    %c0_i32 = arith.constant 0 : i32
    %c0_i32_0 = arith.constant 0 : i32
    return %c0_i32 : i32
  }
  func.func @transform_3(%arg0: i32) -> i32 {
    %c0_i32 = arith.constant 0 : i32
    %c0_i32_0 = arith.constant 0 : i32
    return %c0_i32 : i32
  }
}

</mosaic_0001>

<sc_bundles>
// kernel: kernel.5.cloned.1.call-start
scs
__scs_entry_jumppad:
0x0: {  	(pc) =	sbr.rel $0x88, $3  }
0x1: {  	(tag) =	ssettag $0x0;
	lr =	simm.s32 $0x1  }
0x2: {  	[smem:$0x3F83] =	sst lr;
	_ =	strace $0xD0000000  }
0x3: {  	_ = 	snop  }
0x4: {  	_ = 	snop  }
0x5: {  	_ = 	snop  }
0x6: {  	_ = 	snop  }
0x7: {  	_ = 	snop  }
__scs_overlays_trampoline_lowered:
0x8: {  	[smem:$0x3F92] =	sst s0  }
0x9: {  	[smem:$0x3F93] =	sst s1  }
0xa: {  	[smem:$0x3F94] =	sst s2  }
0xb: {  	[smem:$0x3F95] =	sst s3  }
0xc: {  	[smem:$0x3F96] =	sst s4  }
0xd: {  	[smem:$0x3F97] =	sst s5  }
0xe: {  	[smem:$0x3F98] =	sst s6  }
0xf: {  	[smem:$0x3F99] =	sst s7  }
0x10: {  	[smem:$0x3F9A] =	sst s8  }
0x11: {  	[smem:$0x3F9B] =	sst s9;
	s0 =	simm.s32 @!p0 $0x0  }
0x12: {  	s1 =	sld [smem:$0x3F81];
	s0 =	simm.s32 @p0 $0x1  }
0x13: {  	[smem:$0x3F9C] =	sst s0;
	s0 =	simm.s32 @!p1 $0x0  }
0x14: {  	s2 =	sld [smem:$0x3F80];
	s0 =	simm.s32 @p1 $0x1  }
0x15: {  	[smem:$0x3F9D] =	sst s0;
	s0 =	simm.s32 @!p2 $0x0  }
0x16: {  	s3 =	sld [smem:$0x3FDB];
	s0 =	simm.s32 @p2 $0x1  }
0x17: {  	s4 =	simm.s32 $0x1BF5;
	[smem:$0x3F9F] =	sst s0  }
0x18: {  	s0 =	sld [smem:$0x3F82];
	_ =	swait.ge [sflag:s4], $0x0  }
0x19: {  	s7 =	sld [smem:$0x3F83]  }
0x1a: {  	s8 =	sadd.s32 $0xFFFFE003, lr  }
0x1b: {  	s9 =	sadd.s32 $0xFFFFFEF7, lr;
	s5 =	simm.s32 $0xFFFFFFFF;
	p2 =	slt.u32 s8, $0xFFFFF086  }
0x1c: {  	p1 =	slt.u32 s9, $0xF7A;
	s5 =	simm.s32 @!p2 $0x0  }
0x1d: {  	s5 =	simm.s32 @p1 $0x1;
	p0 =	seq.s32 s7, s2  }
0x1e: {  	s7 =	smul.u32 @!p0 $0xF7A, s2;
	p2 =	seq.s32 @!p0 s5, $0x0  }
0x1f: {  	s9 =	smul.u32 $0xF7A, s1;
	s8 =	simm.s32 @!p0 $0x1BF5;
	p2 =	por !p2, p0  }
0x20: {  	[sflag:s8] =	ssyncset.s32 @!p0 $0xFFFFF086;
	s6 =	sadd.s32 @!p0 s3, s7;
	s7 =	simm.s32 @!p0 $0x108  }
0x21: {  	s3 =	sadd.s32 s3, s9;
	s6 =	sadd.s32 @!p0 $0x88, s6;
	s7 =	simm.s32 @p2 $0x1082  }
0x22: {  	[simem:s7], [sflag:s8] =	dma.local @!p0 [hbm:s6], $0xF7A  }
0x23: {  	s9 =	sor.u32 $0xD0000000, s2;
	s6 =	simm.s32 $0x108;
	_ =	swait.ge @!p0 [sflag:s8], $0x0  }
0x24: {  	s3 =	sadd.s32 $0x88, s3;
	s6 =	simm.s32 @!p1 $0x1082;
	[sflag:s4] =	ssyncset.s32 $0xFFFFF086  }
0x25: {  	[simem:s6], [sflag:s4] =	dma.local [hbm:s3], $0xF7A  }
0x26: {  	[smem:$0x3F83] =	sst s1;
	(tag) =	ssettag s2;
	_ =	strace s9  }
0x27: {  	s1 =	sld [smem:$0x3F93]  }
0x28: {  	s2 =	sld [smem:$0x3F94]  }
0x29: {  	s4 =	sld [smem:$0x3F96]  }
0x2a: {  	p0 =	seq.s32 s5, $0x0;
	s5 =	sld [smem:$0x3F97]  }
0x2b: {  	s6 =	sld [smem:$0x3F98]  }
0x2c: {  	s7 =	sld [smem:$0x3F99]  }
0x2d: {  	s3 =	simm.s32 $0x108;
	s8 =	sld [smem:$0x3F9A]  }
0x2e: {  	s3 =	simm.s32 @!p0 $0x1082;
	s9 =	sld [smem:$0x3F9B]  }
0x2f: {  	lr =	sadd.s32 s0, s3;
	s0 =	sld [smem:$0x3F92]  }
0x30: {  	s3 =	sld [smem:$0x3F95]  }
0x31: {  	[smem:$0x3F9E] =	sst s10  }
0x32: {  	s10 =	sld [smem:$0x3F9C];
	_ =	sdelay $0x3  }
0x33: {  	p0 =	seq.s32 s10, $0x1;
	s10 =	sld [smem:$0x3F9E];
	_ =	sdelay $0x3  }
0x34: {  	[smem:$0x3F9E] =	sst s10  }
0x35: {  	s10 =	sld [smem:$0x3F9D];
	_ =	sdelay $0x3  }
0x36: {  	p1 =	seq.s32 s10, $0x1;
	s10 =	sld [smem:$0x3F9E];
	_ =	sdelay $0x3  }
0x37: {  	[smem:$0x3F9E] =	sst s10  }
0x38: {  	s10 =	sld [smem:$0x3F9F]  }
0x39: {  	_ = 	snop;
	(pc) =	sbr.ind lr, $3  }
0x3a: {  	_ = 	snop  }
0x3b: {  	_ = 	snop  }
0x3c: {  	p2 =	seq.s32 s10, $0x1;
	s10 =	sld [smem:$0x3F9E]  }
0x3d: {  	_ =	shalt  }
0x3e: {  	_ =	shalt  }
0x3f: {  	_ =	shalt  }
0x40: {  	_ =	shalt  }
0x41: {  	_ =	shalt  }
0x42: {  	_ =	shalt  }
0x43: {  	_ =	shalt  }
0x44: {  	_ =	shalt  }
0x45: {  	_ =	shalt  }
0x46: {  	_ =	shalt  }
0x47: {  	_ =	shalt  }
0x48: {  	_ =	shalt  }
0x49: {  	_ =	shalt  }
0x4a: {  	_ =	shalt  }
0x4b: {  	_ =	shalt  }
0x4c: {  	_ =	shalt  }
0x4d: {  	_ =	shalt  }
0x4e: {  	_ =	shalt  }
0x4f: {  	_ =	shalt  }
0x50: {  	_ =	shalt  }
0x51: {  	_ =	shalt  }
0x52: {  	_ =	shalt  }
0x53: {  	_ =	shalt  }
0x54: {  	_ =	shalt  }
0x55: {  	_ =	shalt  }
0x56: {  	_ =	shalt  }
0x57: {  	_ =	shalt  }
0x58: {  	_ =	shalt  }
0x59: {  	_ =	shalt  }
0x5a: {  	_ =	shalt  }
0x5b: {  	_ =	shalt  }
0x5c: {  	_ =	shalt  }
0x5d: {  	_ =	shalt  }
0x5e: {  	_ =	shalt  }
0x5f: {  	_ =	shalt  }
0x60: {  	_ =	shalt  }
0x61: {  	_ =	shalt  }
0x62: {  	_ =	shalt  }
0x63: {  	_ =	shalt  }
0x64: {  	_ =	shalt  }
0x65: {  	_ =	shalt  }
0x66: {  	_ =	shalt  }
0x67: {  	_ =	shalt  }
0x68: {  	_ =	shalt  }
0x69: {  	_ =	shalt  }
0x6a: {  	_ =	shalt  }
0x6b: {  	_ =	shalt  }
0x6c: {  	_ =	shalt  }
0x6d: {  	_ =	shalt  }
0x6e: {  	_ =	shalt  }
0x6f: {  	_ =	shalt  }
0x70: {  	_ =	shalt  }
0x71: {  	_ =	shalt  }
0x72: {  	_ =	shalt  }
0x73: {  	_ =	shalt  }
0x74: {  	_ =	shalt  }
0x75: {  	_ =	shalt  }
0x76: {  	_ =	shalt  }
0x77: {  	_ =	shalt  }
0x78: {  	_ =	shalt  }
0x79: {  	_ =	shalt  }
0x7a: {  	_ =	shalt  }
0x7b: {  	_ =	shalt  }
0x7c: {  	_ =	shalt  }
0x7d: {  	_ =	shalt  }
0x7e: {  	_ =	shalt  }
0x7f: {  	_ =	shalt  }
0x80: {  	_ =	shalt  }
0x81: {  	_ =	shalt  }
0x82: {  	_ =	shalt  }
0x83: {  	_ =	shalt  }
0x84: {  	_ =	shalt  }
0x85: {  	_ =	shalt  }
0x86: {  	_ =	shalt  }
0x87: {  	_ =	shalt  }
.Lfunc_end0:
.L_simem_size_0:
called_computation_lowered:
.L_overlay_start_0:
0x88: {  	s2 =	sld [smem:$0x3FD9]  }
0x89: {  	s3 =	sld [smem:$0x3FFE];
	_ =	sdelay $0x1  }
0x8a: {  	s1 =	srdreg.scid  }
0x8b: {  	s0 =	sand.u32 $0x1, s1  }
0x8c: {  	s17 =	sshll.u32 s0, $0xA;
	s2 =	sadd.s32 s3, s2  }
0x8d: {  	s2 =	sadd.s32 s2, s17  }
0x8e: {  	[smem:$0x3FAA] =	sst s2  }
0x8f: {  	_ = 	snop  }
0x90: {  	s2 =	sld [smem:$0x3FC9]  }
0x91: {  	s18 =	sld [smem:$0x3FC4]  }
0x92: {  	s4 =	sld [smem:$0x3FC3]  }
0x93: {  	s5 =	sld [smem:$0x3FC1];
	(tm) =	ssettm $0x1  }
0x94: {  	s6 =	sld [smem:$0x3FFB];
	_ =	sdelay $0x3  }
0x95: {  	_ =	strace s6  }
0x96: {  	s6 =	sld [smem:$0x3FFC];
	_ =	sdelay $0x3  }
0x97: {  	_ =	strace s6  }
0x98: {  	s6 =	sld [smem:$0x3FFD];
	_ =	sdelay $0x3  }
0x99: {  	_ =	strace s6  }
0x9a: {  	_ =	strace $0x8FFFFFFF  }
0x9b: {  	s19 =	sld [smem:$0x3FDB];
	_ =	sdelay $0x1  }
0x9c: {  	s7 =	simm.s32 $_scs_section_size  }
0x9d: {  	s8 =	simm.s32 $_size__tile_overlayer_lowered;
	s9 =	simm.s32 $_tile_overlayer_lowered  }
0x9e: {  	s22 =	simm.s32 $0x1BFF;
	s21 =	sshll.u32 s9, $0x1;
	s6 =	sadd.s32 s7, s19  }
0x9f: {  	s10 =	simm.s32 $0x0;
	s20 =	sshll.u32 s8, $0x1;
	s8 =	sadd.s32 s21, s6  }
0xa0: {  	[timem:s10], [sflag:s22] =	dma.local [hbm:s8], s20  }
0xa1: {  	_ =	swait.ge [sflag:s22], s20  }
0xa2: {  	s7 =	ssub.s32 $0x0, s20;
	[sflag:s22] =	ssyncset.done $0x0  }
0xa3: {  	[sflag:s22] =	ssyncadd.s32 s7;
	_ =	sdelay $0x1  }
0xa4: {  	s23 =	simm.s32 $0x1B8B  }
0xa5: {  	_ =	swait.ge [sflag:s23], $0x1  }
0xa6: {  	[sflag:s23] =	ssyncset.done $0x0  }
0xa7: {  	s25 =	simm.s32 $0x1B8E;
	s24 =	sld [smem:$0x3FFE];
	[sflag:s23] =	ssyncadd.s32 $0xFFFFFFFF  }
0xa8: {  	s26 =	simm.s32 $execute0_lowered;
	[smem:$0x3FD2] =	sst s25  }
0xa9: {  	s8 =	sshll.u32 s26, $0x1;
	_ =	strace $0x80000046;
	[dreg:$0x1] =	wrdreg $0xFFFFFFFF  }
0xaa: {  	s28 =	simm.s32 $_size_execute0_lowered;
	s6 =	sadd.s32 s6, s8;
	[dreg:$0x0] =	wrdreg $0x0  }
0xab: {  	s8 =	sshll.u32 s28, $0x1;
	[dreg:$0x2] =	wrdreg s6  }
0xac: {  	[dreg:$0x3] =	wrdreg s8  }
0xad: {  	[dreg:$0x4] =	wrdreg $0xC0  }
0xae: {  	_ =	task [dreg:s10], $0x5FFFF  }
0xaf: {  	[dreg:$0x1] =	wrdreg $0xFFFFFFFF  }
0xb0: {  	[dreg:$0x0] =	wrdreg $0x60  }
0xb1: {  	[dreg:$0x2] =	wrdreg s18  }
0xb2: {  	[dreg:$0x3] =	wrdreg s4  }
0xb3: {  	[dreg:$0x4] =	wrdreg s5  }
0xb4: {  	[dreg:$0x5] =	wrdreg s2  }
0xb5: {  	[dreg:$0x6] =	wrdreg s24  }
0xb6: {  	[dreg:$0x7] =	wrdreg $0x9  }
0xb7: {  	_ =	task.clear_ibuf [dreg:s10], $0x8FFFF;
	_ =	strace $0x90000046  }
0xb8: {  	s29 =	simm.s32 $0x9;
	_ =	strace $0x80000048  }
0xb9: {  	_ =	swait.ge [sflag:s29], $0x1  }
0xba: {  	[sflag:s29] =	ssyncadd.s32 $0xFFFFFFFF  }
0xbb: {  	_ =	strace $0x90000048  }
0xbc: {  	_ =	sfence  }
0xbd: {  	s30 =	sld [smem:$0x0];
	_ =	sdelay $0x2  }
0xbe: {  	s31 =	sshll.u32 s1, $0xD;
	s1 =	sshrl.u32 s1, $0x2  }
0xbf: {  	s3 =	sand.u32 $0x4000, s31;
	s1 =	sadd.s32 s1, s30  }
0xc0: {  	s0 =	sor.u32 s3, s0;
	s1 =	sshll.u32 s1, $0x11  }
0xc1: {  	s0 =	sor.u32 s1, s0  }
0xc2: {  	s0 =	sadd.s32 $0x8F2B, s0  }
0xc3: {  	[sflag:s0] =	ssyncadd.remote.s32 $0x1  }
0xc4: {  	_ =	sfence.sel $0xFFFF  }
0xc5: {  	[dreg:$0x0] =	wrdreg $0xFFFFFFFF;
	(pc) =	sbr.abs _section_cstart, $3  }
0xc6: {  	[dreg:$0x1] =	wrdreg $0xFFFFFFFF  }
0xc7: {  	_ =	task.clear_ibuf [dreg:s10], $0x2FFFF;
	_ =	strace $0x9FFFFFFF  }
0xc8: {  	(tm) =	ssettm $0x7FFFFFFF  }
0xc9: {  	_ =	shalt  }
tec
execute0_lowered:
.L_overlay_start_1:
0x0: {  	(tag) =	ssettag $0x1  }
0x1: {  	s0 =	rddreg [dreg:$0x0]  }
0x2: {  	s2 =	rddreg [dreg:$0x1]  }
0x3: {  	s3 =	rddreg [dreg:$0x2]  }
0x4: {  	s6 =	rddreg [dreg:$0x3]  }
0x5: {  	s7 =	rddreg [dreg:$0x4];
	s5 =	simm.s32 $0x0  }
0x6: {  	s22 =	simm.s32 $0x8880;
	[smem:$0x7FF] =	sst s5  }
0x7: {  	s23 =	simm.s32 $0x9080;
	_ =	strace $0x80000047;
	[dreg:$0xa] =	wrdreg s22  }
0x8: {  	s4 =	srdreg.scid;
	s24 =	simm.s32 $0x9880;
	[dreg:$0xb] =	wrdreg s23  }
0x9: {  	s1 =	stileid.u32;
	s25 =	simm.s32 $0xA080;
	[dreg:$0xc] =	wrdreg s24  }
0xa: {  	s26 =	simm.s32 $0xA880;
	s28 =	simm.s32 $0xB080;
	[dreg:$0xd] =	wrdreg s25  }
0xb: {  	s11 =	simm.s32 $0xD080;
	s12 =	simm.s32 $0xD880;
	[dreg:$0xe] =	wrdreg s26  }
0xc: {  	s13 =	simm.s32 $0xE080;
	s14 =	simm.s32 $0xE880;
	[dreg:$0xf] =	wrdreg s28  }
0xd: {  	s15 =	simm.s32 $0xF080;
	s16 =	simm.s32 $0xF880;
	[dreg:$0x13] =	wrdreg s11  }
0xe: {  	s17 =	simm.s32 $0x10080;
	s18 =	simm.s32 $0x10880;
	[dreg:$0x14] =	wrdreg s12  }
0xf: {  	s29 =	simm.s32 $0x16080;
	s30 =	simm.s32 $0x16880;
	[dreg:$0x15] =	wrdreg s13  }
0x10: {  	s31 =	simm.s32 $0x17080;
	s4 =	sand.u32 $0x1, s4;
	[dreg:$0x16] =	wrdreg s14  }
0x11: {  	s8 =	sshll.u32 s1, $0x8;
	s9 =	sshll.u32 s4, $0x7;
	[dreg:$0x17] =	wrdreg s15  }
0x12: {  	s4 =	ssub.s32 $0x2, s4;
	s11 =	simm.s32 $0x1080;
	[dreg:$0x18] =	wrdreg s16  }
0x13: {  	s12 =	simm.s32 $0x1880;
	s13 =	simm.s32 $0x2080;
	[dreg:$0x19] =	wrdreg s17  }
0x14: {  	s14 =	simm.s32 $0x2880;
	s15 =	simm.s32 $0x3080;
	[dreg:$0x1a] =	wrdreg s18  }
0x15: {  	s16 =	simm.s32 $0x3880;
	s17 =	simm.s32 $0x4080;
	s22 =	simm.s32 $0x12880  }
0x16: {  	s18 =	simm.s32 $0x4880;
	s23 =	simm.s32 $0x13080;
	[dreg:$0x1e] =	wrdreg s22  }
0x17: {  	s24 =	simm.s32 $0x13880;
	s25 =	simm.s32 $0x14080;
	[dreg:$0x1f] =	wrdreg s23  }
0x18: {  	s26 =	simm.s32 $0x14880;
	s28 =	simm.s32 $0x15080;
	[smem:$0x7FA] =	sst s24  }
0x19: {  	s8 =	sor.u32 s9, s8;
	s1 =	sshrl.u32 s4, $0x1;
	[smem:$0x7FB] =	sst s25  }
0x1a: {  	s22 =	simm.s32 $0x6880;
	s23 =	simm.s32 $0x7080;
	[smem:$0x7FC] =	sst s26  }
0x1b: {  	[smem:$0x7FD] =	sst s28;
	s9 =	sshll.u32 s8, $0x5;
	s10 =	sshrl.u32 s8, $0x3  }
0x1c: {  	s8 =	sshll.u32 s8, $0x6;
	s9 =	sadd.s32 s9, s7;
	s6 =	sadd.s32 s6, s10  }
0x1d: {  	s7 =	sadd.s32 s8, s7;
	s8 =	simm.s32 $0xB880;
	[dreg:$0x6] =	wrdreg s6  }
0x1e: {  	s24 =	simm.s32 $0x7880;
	s10 =	simm.s32 $0xC880;
	[dreg:$0x10] =	wrdreg s8  }
0x1f: {  	s25 =	simm.s32 $0x1;
	s19 =	sadd.s32 $0x1E00, s9;
	[dreg:$0x12] =	wrdreg s10  }
0x20: {  	s26 =	simm.s32 $0x8080;
	s20 =	sadd.s32 $0x21E00, s9;
	[dreg:$0x7] =	wrdreg s19  }
0x21: {  	s4 =	ssub.s32 s4, s1;
	s21 =	sadd.s32 $0x41E00, s7;
	[dreg:$0x8] =	wrdreg s20  }
0x22: {  	s9 =	simm.s32 $0xC080;
	s6 =	sadd.s32 $0x100, s3;
	[dreg:$0x9] =	wrdreg s21  }
0x23: {  	s7 =	smax.u32 s4, $0x1;
	[dreg:$0x11] =	wrdreg s9;
	s19 =	simm.s32 $0x11080  }
0x24: {  	s8 =	simm.s32 $0x2;
	s20 =	simm.s32 $0x11880;
	[dreg:$0x1b] =	wrdreg s19  }
0x25: {  	v2 =	vlaneseq.u32;
	s10 =	simm.s32 $0x880;
	s21 =	simm.s32 $0x12080;
	[dreg:$0x1c] =	wrdreg s20  }
0x26: {  	vm0 =	vmmov $0xffff;
	v1 =	vshrl.u32 v2, $0x3;
	s4 =	simm.s32 $0x17880;
	s9 =	simm.s32 $0x80;
	[dreg:$0x1d] =	wrdreg s21  }
0x27: {  	v0 =	vand.u32 $0x7, v2;
	v2 =	vor.u32 $0x8, v2;
	v1 =	vmul.u32 $0x8, v1;
	s19 =	simm.s32 $0x5080;
	s20 =	simm.s32 $0x5880;
	s21 =	simm.s32 $0x6080  }
.LBB2_1:
0x28: {  	s1 =	rddreg [dreg:$0x6]  }
0x29: {  	[tilespmem:s5], [sflag:$0x2] =	stream.linear.gather [hbm4b:s1+s5], $0x80, $0x38;
	[tilespmem:$0x18080] =	vst v63  }
0x2a: {  	_ =	swait.ge [sflag:s8], $0x80  }
0x2b: {  	[sflag:s8] =	ssyncset.done $0x0  }
0x2c: {  	[sflag:s8] =	ssyncadd.s32 $0xFFFFFF80  }
0x2d: {  	v3 =	vld [tilespmem:$0x0];
	_ =	sdelay $0x4  }
0x2e: {  	v4 =	vshll.u32 v3, $0x1  }
0x2f: {  	v3 =	vand.u32 $0x7, v3;
	v4 =	vand.u32 $0xFFFFFFF0, v4  }
0x30: {  	v3 =	vor.u32 v3, v4  }
0x31: {  	v4 =	vperm.xlane v3, v0;
	_ =	sdelay $0x1  }
0x32: {  	v3 =	vperm.xlane v3, v2;
	v4 =	vadd.s32 v1, v4;
	_ =	sdelay $0x1  }
0x33: {  	v3 =	vadd.s32 v1, v3;
	_ =	sdelay $0x2  }
0x34: {  	[tilespmem:s9], [sflag:$0x1] =	stream.indirect_vreg.gather [hbm4b:s0+s5], $0x80, v4, vm0, $0xb8;
	[tilespmem:$0x18080] =	vst v63  }
0x35: {  	_ = 	snop  }
0x36: {  	[tilespmem:s10], [sflag:$0x1] =	stream.indirect_vreg.gather [hbm4b:s0+s5], $0x80, v3, vm0, $0xb8;
	[tilespmem:$0x18080] =	vst v63  }
0x37: {  	v3 =	vld [tilespmem:$0x10];
	_ =	sdelay $0x4  }
0x38: {  	v41 =	vshll.u32 v3, $0x1  }
0x39: {  	v3 =	vand.u32 $0x7, v3;
	v4 =	vand.u32 $0xFFFFFFF0, v41  }
0x3a: {  	v3 =	vor.u32 v3, v4  }
0x3b: {  	v4 =	vperm.xlane v3, v0;
	_ =	sdelay $0x1  }
0x3c: {  	v3 =	vperm.xlane v3, v2;
	v4 =	vadd.s32 v1, v4;
	_ =	sdelay $0x1  }
0x3d: {  	v3 =	vadd.s32 v1, v3;
	_ =	sdelay $0x2  }
0x3e: {  	[tilespmem:s11], [sflag:$0x1] =	stream.indirect_vreg.gather [hbm4b:s0+s5], $0x80, v4, vm0, $0xb8;
	[tilespmem:$0x18080] =	vst v63  }
0x3f: {  	_ = 	snop  }
0x40: {  	[tilespmem:s12], [sflag:$0x1] =	stream.indirect_vreg.gather [hbm4b:s0+s5], $0x80, v3, vm0, $0xb8;
	[tilespmem:$0x18080] =	vst v63  }
0x41: {  	v3 =	vld [tilespmem:$0x20];
	_ =	sdelay $0x4  }
0x42: {  	v42 =	vshll.u32 v3, $0x1  }
0x43: {  	v3 =	vand.u32 $0x7, v3;
	v4 =	vand.u32 $0xFFFFFFF0, v42  }
0x44: {  	v3 =	vor.u32 v3, v4  }
0x45: {  	v4 =	vperm.xlane v3, v0;
	_ =	sdelay $0x1  }
0x46: {  	v3 =	vperm.xlane v3, v2;
	v4 =	vadd.s32 v1, v4;
	_ =	sdelay $0x1  }
0x47: {  	v3 =	vadd.s32 v1, v3;
	_ =	sdelay $0x2  }
0x48: {  	[tilespmem:s13], [sflag:$0x1] =	stream.indirect_vreg.gather [hbm4b:s0+s5], $0x80, v4, vm0, $0xb8;
	[tilespmem:$0x18080] =	vst v63  }
0x49: {  	_ = 	snop  }
0x4a: {  	[tilespmem:s14], [sflag:$0x1] =	stream.indirect_vreg.gather [hbm4b:s0+s5], $0x80, v3, vm0, $0xb8;
	[tilespmem:$0x18080] =	vst v63  }
0x4b: {  	v3 =	vld [tilespmem:$0x30];
	_ =	sdelay $0x4  }
0x4c: {  	v43 =	vshll.u32 v3, $0x1  }
0x4d: {  	v3 =	vand.u32 $0x7, v3;
	v4 =	vand.u32 $0xFFFFFFF0, v43  }
0x4e: {  	v3 =	vor.u32 v3, v4  }
0x4f: {  	v4 =	vperm.xlane v3, v0;
	_ =	sdelay $0x1  }
0x50: {  	v3 =	vperm.xlane v3, v2;
	v4 =	vadd.s32 v1, v4;
	_ =	sdelay $0x1  }
0x51: {  	v3 =	vadd.s32 v1, v3;
	_ =	sdelay $0x2  }
0x52: {  	[tilespmem:s15], [sflag:$0x1] =	stream.indirect_vreg.gather [hbm4b:s0+s5], $0x80, v4, vm0, $0xb8;
	[tilespmem:$0x18080] =	vst v63  }
0x53: {  	_ = 	snop  }
0x54: {  	[tilespmem:s16], [sflag:$0x1] =	stream.indirect_vreg.gather [hbm4b:s0+s5], $0x80, v3, vm0, $0xb8;
	[tilespmem:$0x18080] =	vst v63  }
0x55: {  	v3 =	vld [tilespmem:$0x40];
	_ =	sdelay $0x4  }
0x56: {  	v44 =	vshll.u32 v3, $0x1  }
0x57: {  	v3 =	vand.u32 $0x7, v3;
	v4 =	vand.u32 $0xFFFFFFF0, v44  }
0x58: {  	v3 =	vor.u32 v3, v4  }
0x59: {  	v4 =	vperm.xlane v3, v0;
	_ =	sdelay $0x1  }
0x5a: {  	v3 =	vperm.xlane v3, v2;
	v4 =	vadd.s32 v1, v4;
	_ =	sdelay $0x1  }
0x5b: {  	v3 =	vadd.s32 v1, v3;
	_ =	sdelay $0x2  }
0x5c: {  	[tilespmem:s17], [sflag:$0x1] =	stream.indirect_vreg.gather [hbm4b:s0+s5], $0x80, v4, vm0, $0xb8;
	[tilespmem:$0x18080] =	vst v63  }
0x5d: {  	_ = 	snop  }
0x5e: {  	[tilespmem:s18], [sflag:$0x1] =	stream.indirect_vreg.gather [hbm4b:s0+s5], $0x80, v3, vm0, $0xb8;
	[tilespmem:$0x18080] =	vst v63  }
0x5f: {  	v3 =	vld [tilespmem:$0x50];
	_ =	sdelay $0x4  }
0x60: {  	v45 =	vshll.u32 v3, $0x1  }
0x61: {  	v3 =	vand.u32 $0x7, v3;
	v4 =	vand.u32 $0xFFFFFFF0, v45  }
0x62: {  	v3 =	vor.u32 v3, v4  }
0x63: {  	v4 =	vperm.xlane v3, v0;
	_ =	sdelay $0x1  }
0x64: {  	v3 =	vperm.xlane v3, v2;
	v4 =	vadd.s32 v1, v4;
	_ =	sdelay $0x1  }
0x65: {  	v3 =	vadd.s32 v1, v3;
	_ =	sdelay $0x2  }
0x66: {  	[tilespmem:s19], [sflag:$0x1] =	stream.indirect_vreg.gather [hbm4b:s0+s5], $0x80, v4, vm0, $0xb8;
	[tilespmem:$0x18080] =	vst v63  }
0x67: {  	_ = 	snop  }
0x68: {  	[tilespmem:s20], [sflag:$0x1] =	stream.indirect_vreg.gather [hbm4b:s0+s5], $0x80, v3, vm0, $0xb8;
	[tilespmem:$0x18080] =	vst v63  }
0x69: {  	v3 =	vld [tilespmem:$0x60];
	_ =	sdelay $0x4  }
0x6a: {  	v46 =	vshll.u32 v3, $0x1  }
0x6b: {  	v3 =	vand.u32 $0x7, v3;
	v4 =	vand.u32 $0xFFFFFFF0, v46  }
0x6c: {  	v3 =	vor.u32 v3, v4  }
0x6d: {  	v4 =	vperm.xlane v3, v0;
	_ =	sdelay $0x1  }
0x6e: {  	v3 =	vperm.xlane v3, v2;
	v4 =	vadd.s32 v1, v4;
	_ =	sdelay $0x1  }
0x6f: {  	v3 =	vadd.s32 v1, v3;
	_ =	sdelay $0x2  }
0x70: {  	[tilespmem:s21], [sflag:$0x1] =	stream.indirect_vreg.gather [hbm4b:s0+s5], $0x80, v4, vm0, $0xb8;
	[tilespmem:$0x18080] =	vst v63  }
0x71: {  	_ = 	snop  }
0x72: {  	[tilespmem:s22], [sflag:$0x1] =	stream.indirect_vreg.gather [hbm4b:s0+s5], $0x80, v3, vm0, $0xb8;
	[tilespmem:$0x18080] =	vst v63  }
0x73: {  	v3 =	vld [tilespmem:$0x70];
	_ =	sdelay $0x4  }
0x74: {  	v47 =	vshll.u32 v3, $0x1  }
0x75: {  	v3 =	vand.u32 $0x7, v3;
	v4 =	vand.u32 $0xFFFFFFF0, v47  }
0x76: {  	v3 =	vor.u32 v3, v4  }
0x77: {  	v4 =	vperm.xlane v3, v0;
	_ =	sdelay $0x1  }
0x78: {  	v3 =	vperm.xlane v3, v2;
	v4 =	vadd.s32 v1, v4;
	_ =	sdelay $0x1  }
0x79: {  	v3 =	vadd.s32 v1, v3;
	_ =	sdelay $0x2  }
0x7a: {  	[tilespmem:s23], [sflag:$0x1] =	stream.indirect_vreg.gather [hbm4b:s0+s5], $0x80, v4, vm0, $0xb8;
	[tilespmem:$0x18080] =	vst v63  }
0x7b: {  	_ = 	snop  }
0x7c: {  	[tilespmem:s24], [sflag:$0x1] =	stream.indirect_vreg.gather [hbm4b:s0+s5], $0x80, v3, vm0, $0xb8;
	[tilespmem:$0x18080] =	vst v63  }
0x7d: {  	_ =	swait.ge [sflag:s25], $0x8000  }
0x7e: {  	[sflag:s25] =	ssyncset.done $0x0  }
0x7f: {  	s28 =	rddreg [dreg:$0x7];
	[sflag:s25] =	ssyncadd.s32 $0xFFFF8000  }
0x80: {  	[hbm4b:s28+s5] =	stream.linear.scatter [tilespmem:s9], [sflag:$0x2], $0x8000, $0x38;
	[tilespmem:$0x18080] =	vst v63  }
0x81: {  	_ =	swait.ge [sflag:s8], $0x8000  }
0x82: {  	[sflag:s8] =	ssyncset.done $0x0  }
0x83: {  	[sflag:s8] =	ssyncadd.s32 $0xFFFF8000  }
0x84: {  	v3 =	vld [tilespmem:$0x0];
	_ =	sdelay $0x4  }
0x85: {  	v48 =	vshll.u32 v3, $0x1  }
0x86: {  	v3 =	vand.u32 $0x7, v3;
	v4 =	vand.u32 $0xFFFFFFF0, v48  }
0x87: {  	v3 =	vor.u32 v3, v4  }
0x88: {  	v4 =	vperm.xlane v3, v0;
	_ =	sdelay $0x1  }
0x89: {  	v3 =	vperm.xlane v3, v2;
	v4 =	vadd.s32 v1, v4;
	_ =	sdelay $0x1  }
0x8a: {  	v3 =	vadd.s32 v1, v3;
	_ =	sdelay $0x2  }
0x8b: {  	[tilespmem:s9], [sflag:$0x1] =	stream.indirect_vreg.gather [hbm4b:s2+s5], $0x80, v4, vm0, $0xb8;
	[tilespmem:$0x18080] =	vst v63  }
0x8c: {  	_ = 	snop  }
0x8d: {  	[tilespmem:s10], [sflag:$0x1] =	stream.indirect_vreg.gather [hbm4b:s2+s5], $0x80, v3, vm0, $0xb8;
	[tilespmem:$0x18080] =	vst v63  }
0x8e: {  	v3 =	vld [tilespmem:$0x10];
	_ =	sdelay $0x4  }
0x8f: {  	v49 =	vshll.u32 v3, $0x1  }
0x90: {  	v3 =	vand.u32 $0x7, v3;
	v4 =	vand.u32 $0xFFFFFFF0, v49  }
0x91: {  	v3 =	vor.u32 v3, v4  }
0x92: {  	v4 =	vperm.xlane v3, v0;
	_ =	sdelay $0x1  }
0x93: {  	v3 =	vperm.xlane v3, v2;
	v4 =	vadd.s32 v1, v4;
	_ =	sdelay $0x1  }
0x94: {  	v3 =	vadd.s32 v1, v3;
	_ =	sdelay $0x2  }
0x95: {  	[tilespmem:s11], [sflag:$0x1] =	stream.indirect_vreg.gather [hbm4b:s2+s5], $0x80, v4, vm0, $0xb8;
	[tilespmem:$0x18080] =	vst v63  }
0x96: {  	_ = 	snop  }
0x97: {  	[tilespmem:s12], [sflag:$0x1] =	stream.indirect_vreg.gather [hbm4b:s2+s5], $0x80, v3, vm0, $0xb8;
	[tilespmem:$0x18080] =	vst v63  }
0x98: {  	v3 =	vld [tilespmem:$0x20];
	_ =	sdelay $0x4  }
0x99: {  	v50 =	vshll.u32 v3, $0x1  }
0x9a: {  	v3 =	vand.u32 $0x7, v3;
	v4 =	vand.u32 $0xFFFFFFF0, v50  }
0x9b: {  	v3 =	vor.u32 v3, v4  }
0x9c: {  	v4 =	vperm.xlane v3, v0;
	_ =	sdelay $0x1  }
0x9d: {  	v3 =	vperm.xlane v3, v2;
	v4 =	vadd.s32 v1, v4;
	_ =	sdelay $0x1  }
0x9e: {  	v3 =	vadd.s32 v1, v3;
	_ =	sdelay $0x2  }
0x9f: {  	[tilespmem:s13], [sflag:$0x1] =	stream.indirect_vreg.gather [hbm4b:s2+s5], $0x80, v4, vm0, $0xb8;
	[tilespmem:$0x18080] =	vst v63  }
0xa0: {  	_ = 	snop  }
0xa1: {  	[tilespmem:s14], [sflag:$0x1] =	stream.indirect_vreg.gather [hbm4b:s2+s5], $0x80, v3, vm0, $0xb8;
	[tilespmem:$0x18080] =	vst v63  }
0xa2: {  	v3 =	vld [tilespmem:$0x30];
	_ =	sdelay $0x4  }
0xa3: {  	v51 =	vshll.u32 v3, $0x1  }
0xa4: {  	v3 =	vand.u32 $0x7, v3;
	v4 =	vand.u32 $0xFFFFFFF0, v51  }
0xa5: {  	v3 =	vor.u32 v3, v4  }
0xa6: {  	v4 =	vperm.xlane v3, v0;
	_ =	sdelay $0x1  }
0xa7: {  	v3 =	vperm.xlane v3, v2;
	v4 =	vadd.s32 v1, v4;
	_ =	sdelay $0x1  }
0xa8: {  	v3 =	vadd.s32 v1, v3;
	_ =	sdelay $0x2  }
0xa9: {  	[tilespmem:s15], [sflag:$0x1] =	stream.indirect_vreg.gather [hbm4b:s2+s5], $0x80, v4, vm0, $0xb8;
	[tilespmem:$0x18080] =	vst v63  }
0xaa: {  	_ = 	snop  }
0xab: {  	[tilespmem:s16], [sflag:$0x1] =	stream.indirect_vreg.gather [hbm4b:s2+s5], $0x80, v3, vm0, $0xb8;
	[tilespmem:$0x18080] =	vst v63  }
0xac: {  	v3 =	vld [tilespmem:$0x40];
	_ =	sdelay $0x4  }
0xad: {  	v52 =	vshll.u32 v3, $0x1  }
0xae: {  	v3 =	vand.u32 $0x7, v3;
	v4 =	vand.u32 $0xFFFFFFF0, v52  }
0xaf: {  	v3 =	vor.u32 v3, v4  }
0xb0: {  	v4 =	vperm.xlane v3, v0;
	_ =	sdelay $0x1  }
0xb1: {  	v3 =	vperm.xlane v3, v2;
	v4 =	vadd.s32 v1, v4;
	_ =	sdelay $0x1  }
0xb2: {  	v3 =	vadd.s32 v1, v3;
	_ =	sdelay $0x2  }
0xb3: {  	[tilespmem:s17], [sflag:$0x1] =	stream.indirect_vreg.gather [hbm4b:s2+s5], $0x80, v4, vm0, $0xb8;
	[tilespmem:$0x18080] =	vst v63  }
0xb4: {  	_ = 	snop  }
0xb5: {  	[tilespmem:s18], [sflag:$0x1] =	stream.indirect_vreg.gather [hbm4b:s2+s5], $0x80, v3, vm0, $0xb8;
	[tilespmem:$0x18080] =	vst v63  }
0xb6: {  	v3 =	vld [tilespmem:$0x50];
	_ =	sdelay $0x4  }
0xb7: {  	v53 =	vshll.u32 v3, $0x1  }
0xb8: {  	v3 =	vand.u32 $0x7, v3;
	v4 =	vand.u32 $0xFFFFFFF0, v53  }
0xb9: {  	v3 =	vor.u32 v3, v4  }
0xba: {  	v4 =	vperm.xlane v3, v0;
	_ =	sdelay $0x1  }
0xbb: {  	v3 =	vperm.xlane v3, v2;
	v4 =	vadd.s32 v1, v4;
	_ =	sdelay $0x1  }
0xbc: {  	v3 =	vadd.s32 v1, v3;
	_ =	sdelay $0x2  }
0xbd: {  	[tilespmem:s19], [sflag:$0x1] =	stream.indirect_vreg.gather [hbm4b:s2+s5], $0x80, v4, vm0, $0xb8;
	[tilespmem:$0x18080] =	vst v63  }
0xbe: {  	_ = 	snop  }
0xbf: {  	[tilespmem:s20], [sflag:$0x1] =	stream.indirect_vreg.gather [hbm4b:s2+s5], $0x80, v3, vm0, $0xb8;
	[tilespmem:$0x18080] =	vst v63  }
0xc0: {  	v3 =	vld [tilespmem:$0x60];
	_ =	sdelay $0x4  }
0xc1: {  	v54 =	vshll.u32 v3, $0x1  }
0xc2: {  	v3 =	vand.u32 $0x7, v3;
	v4 =	vand.u32 $0xFFFFFFF0, v54  }
0xc3: {  	v3 =	vor.u32 v3, v4  }
0xc4: {  	v4 =	vperm.xlane v3, v0;
	_ =	sdelay $0x1  }
0xc5: {  	v3 =	vperm.xlane v3, v2;
	v4 =	vadd.s32 v1, v4;
	_ =	sdelay $0x1  }
0xc6: {  	v3 =	vadd.s32 v1, v3;
	_ =	sdelay $0x2  }
0xc7: {  	[tilespmem:s21], [sflag:$0x1] =	stream.indirect_vreg.gather [hbm4b:s2+s5], $0x80, v4, vm0, $0xb8;
	[tilespmem:$0x18080] =	vst v63  }
0xc8: {  	_ = 	snop  }
0xc9: {  	[tilespmem:s22], [sflag:$0x1] =	stream.indirect_vreg.gather [hbm4b:s2+s5], $0x80, v3, vm0, $0xb8;
	[tilespmem:$0x18080] =	vst v63  }
0xca: {  	v3 =	vld [tilespmem:$0x70];
	_ =	sdelay $0x4  }
0xcb: {  	v55 =	vshll.u32 v3, $0x1  }
0xcc: {  	v3 =	vand.u32 $0x7, v3;
	v4 =	vand.u32 $0xFFFFFFF0, v55  }
0xcd: {  	v3 =	vor.u32 v3, v4  }
0xce: {  	v4 =	vperm.xlane v3, v0;
	_ =	sdelay $0x1  }
0xcf: {  	v3 =	vperm.xlane v3, v2;
	v4 =	vadd.s32 v1, v4;
	_ =	sdelay $0x1  }
0xd0: {  	v3 =	vadd.s32 v1, v3;
	_ =	sdelay $0x2  }
0xd1: {  	[tilespmem:s23], [sflag:$0x1] =	stream.indirect_vreg.gather [hbm4b:s2+s5], $0x80, v4, vm0, $0xb8;
	[tilespmem:$0x18080] =	vst v63  }
0xd2: {  	_ = 	snop  }
0xd3: {  	[tilespmem:s24], [sflag:$0x1] =	stream.indirect_vreg.gather [hbm4b:s2+s5], $0x80, v3, vm0, $0xb8;
	[tilespmem:$0x18080] =	vst v63  }
0xd4: {  	_ =	swait.ge [sflag:s25], $0x8000  }
0xd5: {  	[sflag:s25] =	ssyncset.done $0x0  }
0xd6: {  	s28 =	rddreg [dreg:$0x8];
	[sflag:s25] =	ssyncadd.s32 $0xFFFF8000  }
0xd7: {  	[hbm4b:s28+s5] =	stream.linear.scatter [tilespmem:s9], [sflag:$0x2], $0x8000, $0x38;
	[tilespmem:$0x18080] =	vst v63  }
0xd8: {  	_ =	swait.ge [sflag:s8], $0x8000  }
0xd9: {  	[sflag:s8] =	ssyncset.done $0x0  }
0xda: {  	[sflag:s8] =	ssyncadd.s32 $0xFFFF8000  }
0xdb: {  	v3 =	vld [tilespmem:$0x0];
	_ =	sdelay $0x4  }
0xdc: {  	v56 =	vshll.u32 v3, $0x2  }
0xdd: {  	v3 =	vand.u32 $0x7, v3;
	v4 =	vand.u32 $0xFFFFFFE0, v56  }
0xde: {  	v3 =	vor.u32 v3, v4  }
0xdf: {  	v4 =	vperm.xlane v3, v0;
	_ =	sdelay $0x1  }
0xe0: {  	v4 =	vadd.s32 v1, v4;
	_ =	sdelay $0x1  }
0xe1: {  	v3 =	vperm.xlane v3, v2;
	_ =	sdelay $0x1  }
0xe2: {  	v3 =	vadd.s32 v1, v3  }
0xe3: {  	[tilespmem:s26], [sflag:$0x1] =	stream.indirect_vreg.gather [hbm4b:s3+s5], $0x80, v4, vm0, $0xb8;
	[tilespmem:$0x18080] =	vst v63  }
0xe4: {  	s1 =	rddreg [dreg:$0xa]  }
0xe5: {  	[tilespmem:s1], [sflag:$0x1] =	stream.indirect_vreg.gather [hbm4b:s6+s5], $0x80, v4, vm0, $0xb8;
	[tilespmem:$0x18080] =	vst v63  }
0xe6: {  	s28 =	rddreg [dreg:$0xb]  }
0xe7: {  	[tilespmem:s28], [sflag:$0x1] =	stream.indirect_vreg.gather [hbm4b:s3+s5], $0x80, v3, vm0, $0xb8;
	[tilespmem:$0x18080] =	vst v63  }
0xe8: {  	s1 =	rddreg [dreg:$0xc]  }
0xe9: {  	[tilespmem:s1], [sflag:$0x1] =	stream.indirect_vreg.gather [hbm4b:s6+s5], $0x80, v3, vm0, $0xb8;
	[tilespmem:$0x18080] =	vst v63  }
0xea: {  	v3 =	vld [tilespmem:$0x10];
	_ =	sdelay $0x4  }
0xeb: {  	v57 =	vshll.u32 v3, $0x2  }
0xec: {  	v3 =	vand.u32 $0x7, v3;
	v4 =	vand.u32 $0xFFFFFFE0, v57  }
0xed: {  	v3 =	vor.u32 v3, v4  }
0xee: {  	v4 =	vperm.xlane v3, v0;
	_ =	sdelay $0x1  }
0xef: {  	v4 =	vadd.s32 v1, v4;
	_ =	sdelay $0x1  }
0xf0: {  	v3 =	vperm.xlane v3, v2;
	_ =	sdelay $0x1  }
0xf1: {  	s1 =	rddreg [dreg:$0xd];
	v3 =	vadd.s32 v1, v3  }
0xf2: {  	[tilespmem:s1], [sflag:$0x1] =	stream.indirect_vreg.gather [hbm4b:s3+s5], $0x80, v4, vm0, $0xb8;
	[tilespmem:$0x18080] =	vst v63  }
0xf3: {  	s28 =	rddreg [dreg:$0xe]  }
0xf4: {  	[tilespmem:s28], [sflag:$0x1] =	stream.indirect_vreg.gather [hbm4b:s6+s5], $0x80, v4, vm0, $0xb8;
	[tilespmem:$0x18080] =	vst v63  }
0xf5: {  	s1 =	rddreg [dreg:$0xf]  }
0xf6: {  	[tilespmem:s1], [sflag:$0x1] =	stream.indirect_vreg.gather [hbm4b:s3+s5], $0x80, v3, vm0, $0xb8;
	[tilespmem:$0x18080] =	vst v63  }
0xf7: {  	s28 =	rddreg [dreg:$0x10]  }
0xf8: {  	[tilespmem:s28], [sflag:$0x1] =	stream.indirect_vreg.gather [hbm4b:s6+s5], $0x80, v3, vm0, $0xb8;
	[tilespmem:$0x18080] =	vst v63  }
0xf9: {  	v3 =	vld [tilespmem:$0x20];
	_ =	sdelay $0x4  }
0xfa: {  	v58 =	vshll.u32 v3, $0x2  }
0xfb: {  	v3 =	vand.u32 $0x7, v3;
	v4 =	vand.u32 $0xFFFFFFE0, v58  }
0xfc: {  	v3 =	vor.u32 v3, v4  }
0xfd: {  	v4 =	vperm.xlane v3, v0;
	_ =	sdelay $0x1  }
0xfe: {  	v4 =	vadd.s32 v1, v4;
	_ =	sdelay $0x1  }
0xff: {  	v3 =	vperm.xlane v3, v2;
	_ =	sdelay $0x1  }
0x100: {  	s1 =	rddreg [dreg:$0x11];
	v3 =	vadd.s32 v1, v3  }
0x101: {  	[tilespmem:s1], [sflag:$0x1] =	stream.indirect_vreg.gather [hbm4b:s3+s5], $0x80, v4, vm0, $0xb8;
	[tilespmem:$0x18080] =	vst v63  }
0x102: {  	s28 =	rddreg [dreg:$0x12]  }
0x103: {  	[tilespmem:s28], [sflag:$0x1] =	stream.indirect_vreg.gather [hbm4b:s6+s5], $0x80, v4, vm0, $0xb8;
	[tilespmem:$0x18080] =	vst v63  }
0x104: {  	s1 =	rddreg [dreg:$0x13]  }
0x105: {  	[tilespmem:s1], [sflag:$0x1] =	stream.indirect_vreg.gather [hbm4b:s3+s5], $0x80, v3, vm0, $0xb8;
	[tilespmem:$0x18080] =	vst v63  }
0x106: {  	s28 =	rddreg [dreg:$0x14]  }
0x107: {  	[tilespmem:s28], [sflag:$0x1] =	stream.indirect_vreg.gather [hbm4b:s6+s5], $0x80, v3, vm0, $0xb8;
	[tilespmem:$0x18080] =	vst v63  }
0x108: {  	v3 =	vld [tilespmem:$0x30];
	_ =	sdelay $0x4  }
0x109: {  	v59 =	vshll.u32 v3, $0x2  }
0x10a: {  	v3 =	vand.u32 $0x7, v3;
	v4 =	vand.u32 $0xFFFFFFE0, v59  }
0x10b: {  	v3 =	vor.u32 v3, v4  }
0x10c: {  	v4 =	vperm.xlane v3, v0;
	_ =	sdelay $0x1  }
0x10d: {  	v4 =	vadd.s32 v1, v4;
	_ =	sdelay $0x1  }
0x10e: {  	v3 =	vperm.xlane v3, v2;
	_ =	sdelay $0x1  }
0x10f: {  	s1 =	rddreg [dreg:$0x15];
	v3 =	vadd.s32 v1, v3  }
0x110: {  	[tilespmem:s1], [sflag:$0x1] =	stream.indirect_vreg.gather [hbm4b:s3+s5], $0x80, v4, vm0, $0xb8;
	[tilespmem:$0x18080] =	vst v63  }
0x111: {  	s28 =	rddreg [dreg:$0x16]  }
0x112: {  	[tilespmem:s28], [sflag:$0x1] =	stream.indirect_vreg.gather [hbm4b:s6+s5], $0x80, v4, vm0, $0xb8;
	[tilespmem:$0x18080] =	vst v63  }
0x113: {  	s1 =	rddreg [dreg:$0x17]  }
0x114: {  	[tilespmem:s1], [sflag:$0x1] =	stream.indirect_vreg.gather [hbm4b:s3+s5], $0x80, v3, vm0, $0xb8;
	[tilespmem:$0x18080] =	vst v63  }
0x115: {  	s28 =	rddreg [dreg:$0x18]  }
0x116: {  	[tilespmem:s28], [sflag:$0x1] =	stream.indirect_vreg.gather [hbm4b:s6+s5], $0x80, v3, vm0, $0xb8;
	[tilespmem:$0x18080] =	vst v63  }
0x117: {  	v3 =	vld [tilespmem:$0x40];
	_ =	sdelay $0x4  }
0x118: {  	v60 =	vshll.u32 v3, $0x2  }
0x119: {  	v3 =	vand.u32 $0x7, v3;
	v4 =	vand.u32 $0xFFFFFFE0, v60  }
0x11a: {  	v3 =	vor.u32 v3, v4  }
0x11b: {  	v4 =	vperm.xlane v3, v0;
	_ =	sdelay $0x1  }
0x11c: {  	v4 =	vadd.s32 v1, v4;
	_ =	sdelay $0x1  }
0x11d: {  	v3 =	vperm.xlane v3, v2;
	_ =	sdelay $0x1  }
0x11e: {  	s1 =	rddreg [dreg:$0x19];
	v3 =	vadd.s32 v1, v3  }
0x11f: {  	[tilespmem:s1], [sflag:$0x1] =	stream.indirect_vreg.gather [hbm4b:s3+s5], $0x80, v4, vm0, $0xb8;
	[tilespmem:$0x18080] =	vst v63  }
0x120: {  	s28 =	rddreg [dreg:$0x1a]  }
0x121: {  	[tilespmem:s28], [sflag:$0x1] =	stream.indirect_vreg.gather [hbm4b:s6+s5], $0x80, v4, vm0, $0xb8;
	[tilespmem:$0x18080] =	vst v63  }
0x122: {  	s1 =	rddreg [dreg:$0x1b]  }
0x123: {  	[tilespmem:s1], [sflag:$0x1] =	stream.indirect_vreg.gather [hbm4b:s3+s5], $0x80, v3, vm0, $0xb8;
	[tilespmem:$0x18080] =	vst v63  }
0x124: {  	s28 =	rddreg [dreg:$0x1c]  }
0x125: {  	[tilespmem:s28], [sflag:$0x1] =	stream.indirect_vreg.gather [hbm4b:s6+s5], $0x80, v3, vm0, $0xb8;
	[tilespmem:$0x18080] =	vst v63  }
0x126: {  	v3 =	vld [tilespmem:$0x50];
	_ =	sdelay $0x4  }
0x127: {  	v61 =	vshll.u32 v3, $0x2  }
0x128: {  	v3 =	vand.u32 $0x7, v3;
	v4 =	vand.u32 $0xFFFFFFE0, v61  }
0x129: {  	v3 =	vor.u32 v3, v4  }
0x12a: {  	v4 =	vperm.xlane v3, v0;
	_ =	sdelay $0x1  }
0x12b: {  	v4 =	vadd.s32 v1, v4;
	_ =	sdelay $0x1  }
0x12c: {  	v3 =	vperm.xlane v3, v2  }
0x12d: {  	s1 =	rddreg [dreg:$0x1d]  }
0x12e: {  	s28 =	rddreg [dreg:$0x1e];
	v3 =	vadd.s32 v1, v3  }
0x12f: {  	[tilespmem:s1], [sflag:$0x1] =	stream.indirect_vreg.gather [hbm4b:s3+s5], $0x80, v4, vm0, $0xb8;
	[tilespmem:$0x18080] =	vst v63  }
0x130: {  	s1 =	rddreg [dreg:$0x1f]  }
0x131: {  	[tilespmem:s28], [sflag:$0x1] =	stream.indirect_vreg.gather [hbm4b:s6+s5], $0x80, v4, vm0, $0xb8;
	[tilespmem:$0x18080] =	vst v63  }
0x132: {  	s28 =	sld [smem:$0x7FA]  }
0x133: {  	[tilespmem:s1], [sflag:$0x1] =	stream.indirect_vreg.gather [hbm4b:s3+s5], $0x80, v3, vm0, $0xb8;
	[tilespmem:$0x18080] =	vst v63  }
0x134: {  	_ = 	snop  }
0x135: {  	[tilespmem:s28], [sflag:$0x1] =	stream.indirect_vreg.gather [hbm4b:s6+s5], $0x80, v3, vm0, $0xb8;
	[tilespmem:$0x18080] =	vst v63  }
0x136: {  	v3 =	vld [tilespmem:$0x60];
	_ =	sdelay $0x4  }
0x137: {  	v62 =	vshll.u32 v3, $0x2  }
0x138: {  	v3 =	vand.u32 $0x7, v3;
	v4 =	vand.u32 $0xFFFFFFE0, v62  }
0x139: {  	v3 =	vor.u32 v3, v4  }
0x13a: {  	v4 =	vperm.xlane v3, v0;
	_ =	sdelay $0x1  }
0x13b: {  	v4 =	vadd.s32 v1, v4;
	_ =	sdelay $0x1  }
0x13c: {  	s1 =	sld [smem:$0x7FB];
	v3 =	vperm.xlane v3, v2;
	_ =	sdelay $0x1  }
0x13d: {  	s28 =	sld [smem:$0x7FC];
	v3 =	vadd.s32 v1, v3  }
0x13e: {  	[tilespmem:s1], [sflag:$0x1] =	stream.indirect_vreg.gather [hbm4b:s3+s5], $0x80, v4, vm0, $0xb8;
	[tilespmem:$0x18080] =	vst v63  }
0x13f: {  	s1 =	sld [smem:$0x7FD]  }
0x140: {  	[tilespmem:s28], [sflag:$0x1] =	stream.indirect_vreg.gather [hbm4b:s6+s5], $0x80, v4, vm0, $0xb8;
	[tilespmem:$0x18080] =	vst v63  }
0x141: {  	_ = 	snop  }
0x142: {  	[tilespmem:s1], [sflag:$0x1] =	stream.indirect_vreg.gather [hbm4b:s3+s5], $0x80, v3, vm0, $0xb8;
	[tilespmem:$0x18080] =	vst v63  }
0x143: {  	s28 =	simm.s32 $0x15880  }
0x144: {  	[tilespmem:s28], [sflag:$0x1] =	stream.indirect_vreg.gather [hbm4b:s6+s5], $0x80, v3, vm0, $0xb8;
	[tilespmem:$0x18080] =	vst v63  }
0x145: {  	v3 =	vld [tilespmem:$0x70];
	_ =	sdelay $0x4  }
0x146: {  	v63 =	vshll.u32 v3, $0x2  }
0x147: {  	v3 =	vand.u32 $0x7, v3;
	v4 =	vand.u32 $0xFFFFFFE0, v63  }
0x148: {  	v3 =	vor.u32 v3, v4  }
0x149: {  	v4 =	vperm.xlane v3, v0;
	_ =	sdelay $0x1  }
0x14a: {  	v4 =	vadd.s32 v1, v4;
	_ =	sdelay $0x1  }
0x14b: {  	v3 =	vperm.xlane v3, v2;
	_ =	sdelay $0x1  }
0x14c: {  	v3 =	vadd.s32 v1, v3  }
0x14d: {  	[tilespmem:s29], [sflag:$0x1] =	stream.indirect_vreg.gather [hbm4b:s3+s5], $0x80, v4, vm0, $0xb8;
	[tilespmem:$0x18080] =	vst v63  }
0x14e: {  	_ = 	snop  }
0x14f: {  	[tilespmem:s30], [sflag:$0x1] =	stream.indirect_vreg.gather [hbm4b:s6+s5], $0x80, v4, vm0, $0xb8;
	[tilespmem:$0x18080] =	vst v63  }
0x150: {  	_ = 	snop  }
0x151: {  	[tilespmem:s31], [sflag:$0x1] =	stream.indirect_vreg.gather [hbm4b:s3+s5], $0x80, v3, vm0, $0xb8;
	[tilespmem:$0x18080] =	vst v63  }
0x152: {  	_ = 	snop  }
0x153: {  	[tilespmem:s4], [sflag:$0x1] =	stream.indirect_vreg.gather [hbm4b:s6+s5], $0x80, v3, vm0, $0xb8;
	[tilespmem:$0x18080] =	vst v63  }
0x154: {  	_ =	swait.ge [sflag:s25], $0x10000  }
0x155: {  	p0 =	sne.s32 s7, $0x1;
	[sflag:s25] =	ssyncset.done $0x0  }
.Ltmp0:
0x156: {  	s28 =	rddreg [dreg:$0x9];
	[sflag:s25] =	ssyncadd.s32 $0xFFFF0000;
	(pc) =	sbr.rel @p0 .LBB2_1-.Ltmp0, $4  }
0x157: {  	[hbm4b:s28+s5] =	stream.linear.scatter [tilespmem:s26], [sflag:$0x2], $0x10000, $0x38;
	[tilespmem:$0x18080] =	vst v63  }
0x158: {  	_ =	swait.ge [sflag:s8], $0x10000  }
0x159: {  	[sflag:s8] =	ssyncset.done $0x0  }
0x15a: {  	s7 =	sadd.s32 $0xFFFFFFFF, s7;
	[sflag:s8] =	ssyncadd.s32 $0xFFFF0000  }
0x15b: {  	_ =	sfence.sel $0x180000  }
0x15c: {  	[bflag:$0x0] =	sbarrier.arrive $0xFFFF  }
0x15d: {  	_ =	strace $0x90000047  }
0x15e: {  	s0 =	stileid.u32;
	[bflag:$0x2] =	sbarrier.arrive $0xFFFF  }
0x15f: {  	p0 =	sne.s32 s0, $0x0;
	s0 =	rddreg [dreg:$0x5]  }
0x160: {  	s0 =	sadd.s32 @!p0 $0x100000, s0  }
0x161: {  	[sflag:s0] =	ssyncadd.tile.s32 @!p0 $0x1;
	_ =	shalt  }
.Lfunc_end2:
_tile_overlayer_lowered:
.L_overlay_start_2:
0x162: {  	(tag) =	ssettag $0x2  }
0x163: {  	s0 =	rddreg [dreg:$0x0];
	s2 =	stileid.u32  }
0x164: {  	s1 =	rddreg [dreg:$0x1];
	p0 =	sne.s32 s2, $0x0  }
0x165: {  	s3 =	rddreg [dreg:$0x2];
	[bflag:$0x3] =	sbarrier.arrive $0xFFFF;
	s2 =	simm.s32 @!p0 $0x1C02  }
0x166: {  	[timem:s3], [sflag:s2] =	dma.local @!p0 [hbm:s0], s1  }
0x167: {  	s0 =	simm.s32 @!p0 $0x2  }
0x168: {  	_ =	swait.ge @!p0 [sflag:s0], s1  }
0x169: {  	s1 =	ssub.s32 @!p0 $0x0, s1;
	[sflag:s0] =	ssyncset.done @!p0 $0x0  }
0x16a: {  	[sflag:s0] =	ssyncadd.s32 @!p0 s1  }
0x16b: {  	[bflag:$0x3] =	sbarrier.arrive $0xFFFF  }
0x16c: {  	_ =	shalt  }

</sc_bundles>
